<compile_context>
chip_gen: v7x
topology: tpu7x:2x2x1
jax: 0.10.2.dev20260603
libtpu: 0.0.44.dev20260713+nightly
codegen_flags: <defaults>
</compile_context>

<pallas_src>
import functools
import jax
import jax.numpy as jnp
from jax import lax
from jax.experimental import pallas as pl
from jax.experimental.pallas import tpu as pltpu
from jax.experimental.pallas import tpu_sc as plsc

_BPB = 4


def _dist_body(zb, cb, csq_ref, idx_slot_ref):
    zf = zb.T
    zsq = jnp.sum(zb * zb, axis=0)[:, None]
    HW_ = zf.shape[0]
    K_ = cb.shape[0]
    CH = 256
    pval = None
    pj = None
    for j in range(K_ // CH):
        cbj = cb[j * CH:(j + 1) * CH, :]
        s = jax.lax.dot_general(
            zf, cbj, (((1,), (1,)), ((), ())),
            preferred_element_type=jnp.float32)
        dj = (zsq - 2.0 * s) + csq_ref[:, j * CH:(j + 1) * CH]
        if j == 0:
            pval = dj
            pj = jnp.zeros((HW_, CH), jnp.int32)
        else:
            lt = dj < pval
            pval = jnp.where(lt, dj, pval)
            pj = jnp.where(lt, jnp.int32(j), pj)
    lane = jax.lax.broadcasted_iota(jnp.int32, (HW_, CH), 1)
    pkey = pj * CH + lane
    tval = pval.T
    tkey = pkey.T
    m = jnp.min(tval, axis=0)[None, :]
    big = jnp.int32(K_)
    idx = jnp.min(jnp.where(tval == m, tkey, big), axis=0)
    idx_slot_ref[...] = idx


def _dist_kernel(z_ref, cb_ref, idx_ref, csq_ref):
    cb = cb_ref[...]

    @pl.when(pl.program_id(0) == 0)
    def _init():
        csq_ref[...] = jnp.sum(cb * cb, axis=1, keepdims=True).T

    for t in range(_BPB):
        _dist_body(z_ref[t], cb, csq_ref, idx_ref.at[t, 0])


def _make_sc_gather(K, C, N, NC, NS):
    NW = NC * NS
    n_per_w = N // NW
    CHG = 128
    n_chunks = n_per_w // CHG
    mesh = plsc.VectorSubcoreMesh(core_axis_name="c", subcore_axis_name="s")

    @functools.partial(
        pl.kernel, mesh=mesh,
        out_type=jax.ShapeDtypeStruct((N, C), jnp.float32),
        scratch_types=[
            pltpu.VMEM((CHG,), jnp.int32),
            pltpu.VMEM((CHG, C), jnp.float32),
            pltpu.SemaphoreType.DMA,
        ],
    )
    def gather_k(cb_hbm, idx_hbm, out_hbm, idx_v, rows_v, sem):
        wid = lax.axis_index("s") * NC + lax.axis_index("c")
        base = wid * n_per_w
        for c in range(n_chunks):
            off = base + c * CHG
            pltpu.sync_copy(idx_hbm.at[pl.ds(off, CHG)], idx_v)
            pltpu.async_copy(cb_hbm.at[idx_v], rows_v, sem).wait()
            pltpu.sync_copy(rows_v, out_hbm.at[pl.ds(off, CHG)])

    return gather_k


def kernel(z, codebook):
    B, C, H, W = z.shape
    HW = H * W
    K = codebook.shape[0]
    N = B * HW
    zr = z.reshape(B, C, HW)
    nb = B // _BPB

    idx3 = pl.pallas_call(
        _dist_kernel,
        grid=(nb,),
        in_specs=[
            pl.BlockSpec((_BPB, C, HW), lambda b: (b, 0, 0)),
            pl.BlockSpec((K, C), lambda b: (0, 0)),
        ],
        out_specs=pl.BlockSpec((_BPB, 1, HW), lambda b: (b, 0, 0)),
        out_shape=jax.ShapeDtypeStruct((B, 1, HW), jnp.int32),
        scratch_shapes=[pltpu.VMEM((1, K), jnp.float32)],
    )(zr, codebook)

    info = plsc.get_sparse_core_info()
    gather_k = _make_sc_gather(K, C, N, info.num_cores, info.num_subcores)
    zq_flat = gather_k(codebook, idx3.reshape(N))

    zq = zq_flat.reshape(B, HW, C).transpose(0, 2, 1).reshape(B, C, H, W)
    return zq, idx3.reshape(B, HW)

# --- scband reference (transcript-rebuilt; emitter-appended) ---
"""Pipeline reference for scband-vector-quantizer-13417477833224 (READ-ONLY COPY).

The authoritative reference and input builder live on the scoring server;
editing this copy changes nothing except your own understanding.
"""

import jax, jax.numpy as jnp
import numpy as np


def setup_inputs(seed: int = 0) -> dict:
    key = jax.random.key(seed)
    k1, k2 = jax.random.split(key)
    z = jax.random.normal(k1, (16, 384, 32, 32), dtype=jnp.float32)
    num_codes, latent_dim = 1024, 384
    codebook = jax.random.uniform(k2, (num_codes, latent_dim), dtype=jnp.float32,
                                  minval=-1.0 / num_codes, maxval=1.0 / num_codes)
    return {"z": z, "codebook": codebook}


def reference(z, codebook):
    # 4D path of VectorQuantizer.forward
    batch_size, num_channels, height, width = z.shape
    z_flattened = z.reshape(batch_size, num_channels, -1).transpose(0, 2, 1)  # [B, HW, C]
    distances = (z_flattened ** 2).sum(axis=-1, keepdims=True) \
        - 2.0 * (z_flattened @ codebook.T) \
        + (codebook ** 2).sum(axis=-1)  # [B, HW, K]
    encoding_indices = jnp.argmin(distances, axis=-1)  # [B, HW]
    z_q = jnp.take(codebook, encoding_indices, axis=0)  # [B, HW, C]
    z_q = z_q.transpose(0, 2, 1).reshape(z.shape)  # [B, C, H, W]
    return (z_q, encoding_indices)

if __name__ == "__main__":
    import jax
    _d = setup_inputs()
    print(jax.jit(kernel)(*tuple(_d.values())))

</pallas_src>

<mosaic_0001>
#map = affine_map<(d0, d1) -> (0, 0)>
#map1 = affine_map<(d0, d1) -> (0)>
module attributes {stable_mosaic.version = 14 : i64} {
  func.func @gather_k(%arg0: i32, %arg1: i32, %arg2: memref<1024x384xf32, #tpu.memory_space<hbm>>, %arg3: memref<16384xi32, #tpu.memory_space<hbm>>, %arg4: memref<16384x384xf32, #tpu.memory_space<hbm>>, %arg5: memref<128xi32, #tpu.memory_space<vmem>>, %arg6: memref<128x384xf32, #tpu.memory_space<vmem>>, %arg7: memref<!tpu.dma_semaphore, #tpu.memory_space<semaphore_mem>>) attributes {dimension_semantics = [#tpu.dimension_semantics<core_parallel>, #tpu.dimension_semantics<subcore_parallel>], iteration_bounds = array<i64: 2, 16>, scalar_prefetch = 0 : i64, scratch_operands = 3 : i64, tpu.core_type = #tpu.core_type<sc_vector_subcore>, window_params = [{transform_indices = #map}, {transform_indices = #map1}, {transform_indices = #map}]} {
    %mul3A = arith.constant 2 : i32
    %mul3A_0 = arith.muli %arg1, %mul3A : i32
    %add3A = arith.addi %mul3A_0, %arg0 : i32
    %mul3A_1 = arith.constant 512 : i32
    %mul3A_2 = arith.muli %add3A, %mul3A_1 : i32
    %add3A_3 = arith.constant 0 : i32
    %add3A_4 = arith.addi %mul3A_2, %add3A_3 : i32
    "tpu.region"() ({
      %run_scoped3A = tpu.sem_alloc : memref<!tpu.dma_semaphore, #tpu.memory_space<semaphore_mem>>
      %dma_start3A_33 = tpu.memref_slice %arg3[%add3A_4] : memref<16384xi32, #tpu.memory_space<hbm>> -> memref<128xi32, #tpu.memory_space<hbm>>
      %dma_start3A_34 = tpu.memref_slice %arg3[%add3A_4] : memref<16384xi32, #tpu.memory_space<hbm>> -> memref<128xi32, #tpu.memory_space<hbm>>
      tpu.enqueue_dma source(%dma_start3A_34 : memref<128xi32, #tpu.memory_space<hbm>>) target(%arg5 : memref<128xi32, #tpu.memory_space<vmem>>) target_semaphore(%run_scoped3A : memref<!tpu.dma_semaphore, #tpu.memory_space<semaphore_mem>>)
      %dma_wait3A_35 = tpu.memref_slice %arg3[%add3A_4] : memref<16384xi32, #tpu.memory_space<hbm>> -> memref<128xi32, #tpu.memory_space<hbm>>
      %dma_wait3A_36 = tpu.memref_slice %arg3[%add3A_4] : memref<16384xi32, #tpu.memory_space<hbm>> -> memref<128xi32, #tpu.memory_space<hbm>>
      tpu.wait_dma2 semaphore(%run_scoped3A : memref<!tpu.dma_semaphore, #tpu.memory_space<semaphore_mem>>) src(%dma_wait3A_36 : memref<128xi32, #tpu.memory_space<hbm>>) dst(%arg5 : memref<128xi32, #tpu.memory_space<vmem>>)
      tpu.yield
    }) : () -> ()
    %dma_start3A = arith.constant 0 : i32
    %dma_start3A_5 = arith.constant 0 : i32
    %dma_start3A_6 = tpu.memref_slice %arg2[%dma_start3A, %dma_start3A_5] : memref<1024x384xf32, #tpu.memory_space<hbm>> -> memref<1024x384xf32, #tpu.memory_space<hbm>>
    tpu.enqueue_indirect_dma source(%dma_start3A_6 : memref<1024x384xf32, #tpu.memory_space<hbm>>) target(%arg6 : memref<128x384xf32, #tpu.memory_space<vmem>>) offsets(%arg5 : memref<128xi32, #tpu.memory_space<vmem>>) semaphore(%arg7 : memref<!tpu.dma_semaphore, #tpu.memory_space<semaphore_mem>>)
    %dma_wait3A = arith.constant 0 : i32
    %dma_wait3A_7 = arith.constant 0 : i32
    %dma_wait3A_8 = tpu.memref_slice %arg2[%dma_wait3A, %dma_wait3A_7] : memref<1024x384xf32, #tpu.memory_space<hbm>> -> memref<1024x384xf32, #tpu.memory_space<hbm>>
    tpu.wait_indirect_dma semaphore(%arg7 : memref<!tpu.dma_semaphore, #tpu.memory_space<semaphore_mem>>) src(%dma_wait3A_8 : memref<1024x384xf32, #tpu.memory_space<hbm>>) dst(%arg6 : memref<128x384xf32, #tpu.memory_space<vmem>>)
    "tpu.region"() ({
      %run_scoped3A = tpu.sem_alloc : memref<!tpu.dma_semaphore, #tpu.memory_space<semaphore_mem>>
      %dma_start3A_33 = arith.constant 0 : i32
      %dma_start3A_34 = tpu.memref_slice %arg4[%add3A_4, %dma_start3A_33] : memref<16384x384xf32, #tpu.memory_space<hbm>> -> memref<128x384xf32, #tpu.memory_space<hbm>>
      %dma_start3A_35 = arith.constant 0 : i32
      %dma_start3A_36 = tpu.memref_slice %arg4[%add3A_4, %dma_start3A_35] : memref<16384x384xf32, #tpu.memory_space<hbm>> -> memref<128x384xf32, #tpu.memory_space<hbm>>
      tpu.enqueue_dma source(%arg6 : memref<128x384xf32, #tpu.memory_space<vmem>>) target(%dma_start3A_36 : memref<128x384xf32, #tpu.memory_space<hbm>>) target_semaphore(%run_scoped3A : memref<!tpu.dma_semaphore, #tpu.memory_space<semaphore_mem>>)
      %dma_wait3A_37 = arith.constant 0 : i32
      %dma_wait3A_38 = tpu.memref_slice %arg4[%add3A_4, %dma_wait3A_37] : memref<16384x384xf32, #tpu.memory_space<hbm>> -> memref<128x384xf32, #tpu.memory_space<hbm>>
      %dma_wait3A_39 = arith.constant 0 : i32
      %dma_wait3A_40 = tpu.memref_slice %arg4[%add3A_4, %dma_wait3A_39] : memref<16384x384xf32, #tpu.memory_space<hbm>> -> memref<128x384xf32, #tpu.memory_space<hbm>>
      tpu.wait_dma2 semaphore(%run_scoped3A : memref<!tpu.dma_semaphore, #tpu.memory_space<semaphore_mem>>) src(%arg6 : memref<128x384xf32, #tpu.memory_space<vmem>>) dst(%dma_wait3A_40 : memref<128x384xf32, #tpu.memory_space<hbm>>)
      tpu.yield
    }) : () -> ()
    %add3A_9 = arith.constant 128 : i32
    %add3A_10 = arith.addi %mul3A_2, %add3A_9 : i32
    "tpu.region"() ({
      %run_scoped3A = tpu.sem_alloc : memref<!tpu.dma_semaphore, #tpu.memory_space<semaphore_mem>>
      %dma_start3A_33 = tpu.memref_slice %arg3[%add3A_10] : memref<16384xi32, #tpu.memory_space<hbm>> -> memref<128xi32, #tpu.memory_space<hbm>>
      %dma_start3A_34 = tpu.memref_slice %arg3[%add3A_10] : memref<16384xi32, #tpu.memory_space<hbm>> -> memref<128xi32, #tpu.memory_space<hbm>>
      tpu.enqueue_dma source(%dma_start3A_34 : memref<128xi32, #tpu.memory_space<hbm>>) target(%arg5 : memref<128xi32, #tpu.memory_space<vmem>>) target_semaphore(%run_scoped3A : memref<!tpu.dma_semaphore, #tpu.memory_space<semaphore_mem>>)
      %dma_wait3A_35 = tpu.memref_slice %arg3[%add3A_10] : memref<16384xi32, #tpu.memory_space<hbm>> -> memref<128xi32, #tpu.memory_space<hbm>>
      %dma_wait3A_36 = tpu.memref_slice %arg3[%add3A_10] : memref<16384xi32, #tpu.memory_space<hbm>> -> memref<128xi32, #tpu.memory_space<hbm>>
      tpu.wait_dma2 semaphore(%run_scoped3A : memref<!tpu.dma_semaphore, #tpu.memory_space<semaphore_mem>>) src(%dma_wait3A_36 : memref<128xi32, #tpu.memory_space<hbm>>) dst(%arg5 : memref<128xi32, #tpu.memory_space<vmem>>)
      tpu.yield
    }) : () -> ()
    %dma_start3A_11 = arith.constant 0 : i32
    %dma_start3A_12 = arith.constant 0 : i32
    %dma_start3A_13 = tpu.memref_slice %arg2[%dma_start3A_11, %dma_start3A_12] : memref<1024x384xf32, #tpu.memory_space<hbm>> -> memref<1024x384xf32, #tpu.memory_space<hbm>>
    tpu.enqueue_indirect_dma source(%dma_start3A_13 : memref<1024x384xf32, #tpu.memory_space<hbm>>) target(%arg6 : memref<128x384xf32, #tpu.memory_space<vmem>>) offsets(%arg5 : memref<128xi32, #tpu.memory_space<vmem>>) semaphore(%arg7 : memref<!tpu.dma_semaphore, #tpu.memory_space<semaphore_mem>>)
    %dma_wait3A_14 = arith.constant 0 : i32
    %dma_wait3A_15 = arith.constant 0 : i32
    %dma_wait3A_16 = tpu.memref_slice %arg2[%dma_wait3A_14, %dma_wait3A_15] : memref<1024x384xf32, #tpu.memory_space<hbm>> -> memref<1024x384xf32, #tpu.memory_space<hbm>>
    tpu.wait_indirect_dma semaphore(%arg7 : memref<!tpu.dma_semaphore, #tpu.memory_space<semaphore_mem>>) src(%dma_wait3A_16 : memref<1024x384xf32, #tpu.memory_space<hbm>>) dst(%arg6 : memref<128x384xf32, #tpu.memory_space<vmem>>)
    "tpu.region"() ({
      %run_scoped3A = tpu.sem_alloc : memref<!tpu.dma_semaphore, #tpu.memory_space<semaphore_mem>>
      %dma_start3A_33 = arith.constant 0 : i32
      %dma_start3A_34 = tpu.memref_slice %arg4[%add3A_10, %dma_start3A_33] : memref<16384x384xf32, #tpu.memory_space<hbm>> -> memref<128x384xf32, #tpu.memory_space<hbm>>
      %dma_start3A_35 = arith.constant 0 : i32
      %dma_start3A_36 = tpu.memref_slice %arg4[%add3A_10, %dma_start3A_35] : memref<16384x384xf32, #tpu.memory_space<hbm>> -> memref<128x384xf32, #tpu.memory_space<hbm>>
      tpu.enqueue_dma source(%arg6 : memref<128x384xf32, #tpu.memory_space<vmem>>) target(%dma_start3A_36 : memref<128x384xf32, #tpu.memory_space<hbm>>) target_semaphore(%run_scoped3A : memref<!tpu.dma_semaphore, #tpu.memory_space<semaphore_mem>>)
      %dma_wait3A_37 = arith.constant 0 : i32
      %dma_wait3A_38 = tpu.memref_slice %arg4[%add3A_10, %dma_wait3A_37] : memref<16384x384xf32, #tpu.memory_space<hbm>> -> memref<128x384xf32, #tpu.memory_space<hbm>>
      %dma_wait3A_39 = arith.constant 0 : i32
      %dma_wait3A_40 = tpu.memref_slice %arg4[%add3A_10, %dma_wait3A_39] : memref<16384x384xf32, #tpu.memory_space<hbm>> -> memref<128x384xf32, #tpu.memory_space<hbm>>
      tpu.wait_dma2 semaphore(%run_scoped3A : memref<!tpu.dma_semaphore, #tpu.memory_space<semaphore_mem>>) src(%arg6 : memref<128x384xf32, #tpu.memory_space<vmem>>) dst(%dma_wait3A_40 : memref<128x384xf32, #tpu.memory_space<hbm>>)
      tpu.yield
    }) : () -> ()
    %add3A_17 = arith.constant 256 : i32
    %add3A_18 = arith.addi %mul3A_2, %add3A_17 : i32
    "tpu.region"() ({
      %run_scoped3A = tpu.sem_alloc : memref<!tpu.dma_semaphore, #tpu.memory_space<semaphore_mem>>
      %dma_start3A_33 = tpu.memref_slice %arg3[%add3A_18] : memref<16384xi32, #tpu.memory_space<hbm>> -> memref<128xi32, #tpu.memory_space<hbm>>
      %dma_start3A_34 = tpu.memref_slice %arg3[%add3A_18] : memref<16384xi32, #tpu.memory_space<hbm>> -> memref<128xi32, #tpu.memory_space<hbm>>
      tpu.enqueue_dma source(%dma_start3A_34 : memref<128xi32, #tpu.memory_space<hbm>>) target(%arg5 : memref<128xi32, #tpu.memory_space<vmem>>) target_semaphore(%run_scoped3A : memref<!tpu.dma_semaphore, #tpu.memory_space<semaphore_mem>>)
      %dma_wait3A_35 = tpu.memref_slice %arg3[%add3A_18] : memref<16384xi32, #tpu.memory_space<hbm>> -> memref<128xi32, #tpu.memory_space<hbm>>
      %dma_wait3A_36 = tpu.memref_slice %arg3[%add3A_18] : memref<16384xi32, #tpu.memory_space<hbm>> -> memref<128xi32, #tpu.memory_space<hbm>>
      tpu.wait_dma2 semaphore(%run_scoped3A : memref<!tpu.dma_semaphore, #tpu.memory_space<semaphore_mem>>) src(%dma_wait3A_36 : memref<128xi32, #tpu.memory_space<hbm>>) dst(%arg5 : memref<128xi32, #tpu.memory_space<vmem>>)
      tpu.yield
    }) : () -> ()
    %dma_start3A_19 = arith.constant 0 : i32
    %dma_start3A_20 = arith.constant 0 : i32
    %dma_start3A_21 = tpu.memref_slice %arg2[%dma_start3A_19, %dma_start3A_20] : memref<1024x384xf32, #tpu.memory_space<hbm>> -> memref<1024x384xf32, #tpu.memory_space<hbm>>
    tpu.enqueue_indirect_dma source(%dma_start3A_21 : memref<1024x384xf32, #tpu.memory_space<hbm>>) target(%arg6 : memref<128x384xf32, #tpu.memory_space<vmem>>) offsets(%arg5 : memref<128xi32, #tpu.memory_space<vmem>>) semaphore(%arg7 : memref<!tpu.dma_semaphore, #tpu.memory_space<semaphore_mem>>)
    %dma_wait3A_22 = arith.constant 0 : i32
    %dma_wait3A_23 = arith.constant 0 : i32
    %dma_wait3A_24 = tpu.memref_slice %arg2[%dma_wait3A_22, %dma_wait3A_23] : memref<1024x384xf32, #tpu.memory_space<hbm>> -> memref<1024x384xf32, #tpu.memory_space<hbm>>
    tpu.wait_indirect_dma semaphore(%arg7 : memref<!tpu.dma_semaphore, #tpu.memory_space<semaphore_mem>>) src(%dma_wait3A_24 : memref<1024x384xf32, #tpu.memory_space<hbm>>) dst(%arg6 : memref<128x384xf32, #tpu.memory_space<vmem>>)
    "tpu.region"() ({
      %run_scoped3A = tpu.sem_alloc : memref<!tpu.dma_semaphore, #tpu.memory_space<semaphore_mem>>
      %dma_start3A_33 = arith.constant 0 : i32
      %dma_start3A_34 = tpu.memref_slice %arg4[%add3A_18, %dma_start3A_33] : memref<16384x384xf32, #tpu.memory_space<hbm>> -> memref<128x384xf32, #tpu.memory_space<hbm>>
      %dma_start3A_35 = arith.constant 0 : i32
      %dma_start3A_36 = tpu.memref_slice %arg4[%add3A_18, %dma_start3A_35] : memref<16384x384xf32, #tpu.memory_space<hbm>> -> memref<128x384xf32, #tpu.memory_space<hbm>>
      tpu.enqueue_dma source(%arg6 : memref<128x384xf32, #tpu.memory_space<vmem>>) target(%dma_start3A_36 : memref<128x384xf32, #tpu.memory_space<hbm>>) target_semaphore(%run_scoped3A : memref<!tpu.dma_semaphore, #tpu.memory_space<semaphore_mem>>)
      %dma_wait3A_37 = arith.constant 0 : i32
      %dma_wait3A_38 = tpu.memref_slice %arg4[%add3A_18, %dma_wait3A_37] : memref<16384x384xf32, #tpu.memory_space<hbm>> -> memref<128x384xf32, #tpu.memory_space<hbm>>
      %dma_wait3A_39 = arith.constant 0 : i32
      %dma_wait3A_40 = tpu.memref_slice %arg4[%add3A_18, %dma_wait3A_39] : memref<16384x384xf32, #tpu.memory_space<hbm>> -> memref<128x384xf32, #tpu.memory_space<hbm>>
      tpu.wait_dma2 semaphore(%run_scoped3A : memref<!tpu.dma_semaphore, #tpu.memory_space<semaphore_mem>>) src(%arg6 : memref<128x384xf32, #tpu.memory_space<vmem>>) dst(%dma_wait3A_40 : memref<128x384xf32, #tpu.memory_space<hbm>>)
      tpu.yield
    }) : () -> ()
    %add3A_25 = arith.constant 384 : i32
    %add3A_26 = arith.addi %mul3A_2, %add3A_25 : i32
    "tpu.region"() ({
      %run_scoped3A = tpu.sem_alloc : memref<!tpu.dma_semaphore, #tpu.memory_space<semaphore_mem>>
      %dma_start3A_33 = tpu.memref_slice %arg3[%add3A_26] : memref<16384xi32, #tpu.memory_space<hbm>> -> memref<128xi32, #tpu.memory_space<hbm>>
      %dma_start3A_34 = tpu.memref_slice %arg3[%add3A_26] : memref<16384xi32, #tpu.memory_space<hbm>> -> memref<128xi32, #tpu.memory_space<hbm>>
      tpu.enqueue_dma source(%dma_start3A_34 : memref<128xi32, #tpu.memory_space<hbm>>) target(%arg5 : memref<128xi32, #tpu.memory_space<vmem>>) target_semaphore(%run_scoped3A : memref<!tpu.dma_semaphore, #tpu.memory_space<semaphore_mem>>)
      %dma_wait3A_35 = tpu.memref_slice %arg3[%add3A_26] : memref<16384xi32, #tpu.memory_space<hbm>> -> memref<128xi32, #tpu.memory_space<hbm>>
      %dma_wait3A_36 = tpu.memref_slice %arg3[%add3A_26] : memref<16384xi32, #tpu.memory_space<hbm>> -> memref<128xi32, #tpu.memory_space<hbm>>
      tpu.wait_dma2 semaphore(%run_scoped3A : memref<!tpu.dma_semaphore, #tpu.memory_space<semaphore_mem>>) src(%dma_wait3A_36 : memref<128xi32, #tpu.memory_space<hbm>>) dst(%arg5 : memref<128xi32, #tpu.memory_space<vmem>>)
      tpu.yield
    }) : () -> ()
    %dma_start3A_27 = arith.constant 0 : i32
    %dma_start3A_28 = arith.constant 0 : i32
    %dma_start3A_29 = tpu.memref_slice %arg2[%dma_start3A_27, %dma_start3A_28] : memref<1024x384xf32, #tpu.memory_space<hbm>> -> memref<1024x384xf32, #tpu.memory_space<hbm>>
    tpu.enqueue_indirect_dma source(%dma_start3A_29 : memref<1024x384xf32, #tpu.memory_space<hbm>>) target(%arg6 : memref<128x384xf32, #tpu.memory_space<vmem>>) offsets(%arg5 : memref<128xi32, #tpu.memory_space<vmem>>) semaphore(%arg7 : memref<!tpu.dma_semaphore, #tpu.memory_space<semaphore_mem>>)
    %dma_wait3A_30 = arith.constant 0 : i32
    %dma_wait3A_31 = arith.constant 0 : i32
    %dma_wait3A_32 = tpu.memref_slice %arg2[%dma_wait3A_30, %dma_wait3A_31] : memref<1024x384xf32, #tpu.memory_space<hbm>> -> memref<1024x384xf32, #tpu.memory_space<hbm>>
    tpu.wait_indirect_dma semaphore(%arg7 : memref<!tpu.dma_semaphore, #tpu.memory_space<semaphore_mem>>) src(%dma_wait3A_32 : memref<1024x384xf32, #tpu.memory_space<hbm>>) dst(%arg6 : memref<128x384xf32, #tpu.memory_space<vmem>>)
    "tpu.region"() ({
      %run_scoped3A = tpu.sem_alloc : memref<!tpu.dma_semaphore, #tpu.memory_space<semaphore_mem>>
      %dma_start3A_33 = arith.constant 0 : i32
      %dma_start3A_34 = tpu.memref_slice %arg4[%add3A_26, %dma_start3A_33] : memref<16384x384xf32, #tpu.memory_space<hbm>> -> memref<128x384xf32, #tpu.memory_space<hbm>>
      %dma_start3A_35 = arith.constant 0 : i32
      %dma_start3A_36 = tpu.memref_slice %arg4[%add3A_26, %dma_start3A_35] : memref<16384x384xf32, #tpu.memory_space<hbm>> -> memref<128x384xf32, #tpu.memory_space<hbm>>
      tpu.enqueue_dma source(%arg6 : memref<128x384xf32, #tpu.memory_space<vmem>>) target(%dma_start3A_36 : memref<128x384xf32, #tpu.memory_space<hbm>>) target_semaphore(%run_scoped3A : memref<!tpu.dma_semaphore, #tpu.memory_space<semaphore_mem>>)
      %dma_wait3A_37 = arith.constant 0 : i32
      %dma_wait3A_38 = tpu.memref_slice %arg4[%add3A_26, %dma_wait3A_37] : memref<16384x384xf32, #tpu.memory_space<hbm>> -> memref<128x384xf32, #tpu.memory_space<hbm>>
      %dma_wait3A_39 = arith.constant 0 : i32
      %dma_wait3A_40 = tpu.memref_slice %arg4[%add3A_26, %dma_wait3A_39] : memref<16384x384xf32, #tpu.memory_space<hbm>> -> memref<128x384xf32, #tpu.memory_space<hbm>>
      tpu.wait_dma2 semaphore(%run_scoped3A : memref<!tpu.dma_semaphore, #tpu.memory_space<semaphore_mem>>) src(%arg6 : memref<128x384xf32, #tpu.memory_space<vmem>>) dst(%dma_wait3A_40 : memref<128x384xf32, #tpu.memory_space<hbm>>)
      tpu.yield
    }) : () -> ()
    return
  }
}

module attributes {stable_mosaic.version = 14 : i64} {
  func.func @_dist_kernel(%arg0: i32, %arg1: memref<4x384x1024xf32, #tpu.memory_space<vmem>>, %arg2: memref<1024x384xf32, #tpu.memory_space<vmem>>, %arg3: memref<4x1x1024xi32, #tpu.memory_space<vmem>>, %arg4: memref<1x1024xf32, #tpu.memory_space<vmem>>) attributes {dimension_semantics = [#tpu.dimension_semantics<arbitrary>], iteration_bounds = array<i64: 4>, scalar_prefetch = 0 : i64, scratch_operands = 1 : i64, tpu.core_type = #tpu.core_type<tc>, window_params = [{transform_indices = @transform_0, window_bounds = array<i64: 4, 384, 1024>}, {pipeline_mode = #tpu.pipeline_mode<synchronous>, transform_indices = @transform_1, window_bounds = array<i64: 1024, 384>}, {transform_indices = @transform_2, window_bounds = array<i64: 4, 1, 1024>}]} {
    %get3A = arith.constant 0 : index
    %get3A_0 = arith.constant 0 : index
    %get3A_1 = vector.load %arg2[%get3A, %get3A_0] : memref<1024x384xf32, #tpu.memory_space<vmem>>, vector<1024x384xf32>
    %eq3A = arith.constant 0 : i32
    %eq3A_2 = arith.cmpi eq, %arg0, %eq3A : i32
    %convert_element_type3A = arith.extui %eq3A_2 : i1 to i32
    %cond3A = arith.constant 0 : i32
    %cond3A_3 = arith.cmpi ne, %convert_element_type3A, %cond3A : i32
    scf.if %cond3A_3 {
      %mul3A_398 = arith.mulf %get3A_1, %get3A_1 : vector<1024x384xf32>
      %reduce_sum3A_399 = arith.constant dense<0.000000e+00> : vector<1024xf32>
      %reduce_sum3A_400 = vector.multi_reduction <add>, %mul3A_398, %reduce_sum3A_399 [1] : vector<1024x384xf32> to vector<1024xf32>
      %broadcast_in_dim3A_401 = vector.shape_cast %reduce_sum3A_400 : vector<1024xf32> to vector<1024x1xf32>
      %transpose3A_402 = tpu.transpose %broadcast_in_dim3A_401, [1, 0] : vector<1024x1xf32> -> vector<1x1024xf32>
      %swap3A_403 = arith.constant 0 : index
      %swap3A_404 = arith.constant 0 : index
      %swap3A_405 = vector.load %arg4[%swap3A_403, %swap3A_404] : memref<1x1024xf32, #tpu.memory_space<vmem>>, vector<1x1024xf32>
      tpu.vector_store %arg4[%swap3A_403, %swap3A_404], %transpose3A_402 {strides = array<i32>} : memref<1x1024xf32, #tpu.memory_space<vmem>>, vector<1x1024xf32>,
    } else {
    }
    %get3A_4 = arith.constant 0 : index
    %get3A_5 = arith.constant 0 : index
    %get3A_6 = arith.constant 0 : index
    %get3A_7 = vector.load %arg1[%get3A_4, %get3A_5, %get3A_6] : memref<4x384x1024xf32, #tpu.memory_space<vmem>>, vector<1x384x1024xf32>
    %get3A_8 = vector.shape_cast %get3A_7 : vector<1x384x1024xf32> to vector<384x1024xf32>
    %transpose3A = tpu.transpose %get3A_8, [1, 0] : vector<384x1024xf32> -> vector<1024x384xf32>
    %mul3A = arith.mulf %get3A_8, %get3A_8 : vector<384x1024xf32>
    %reduce_sum3A = arith.constant dense<0.000000e+00> : vector<1024xf32>
    %reduce_sum3A_9 = vector.multi_reduction <add>, %mul3A, %reduce_sum3A [0] : vector<384x1024xf32> to vector<1024xf32>
    %broadcast_in_dim3A = vector.shape_cast %reduce_sum3A_9 : vector<1024xf32> to vector<1024x1xf32>
    %slice3A = vector.extract_strided_slice %get3A_1 {offsets = [0, 0], sizes = [256, 384], strides = [1, 1]} : vector<1024x384xf32> to vector<256x384xf32>
    %dot_general3A = arith.constant dense<0.000000e+00> : vector<1024x256xf32>
    %dot_general3A_10 = tpu.matmul %transpose3A, %slice3A, %dot_general3A {dimension_numbers = #tpu.dot_dimension_numbers<[1], [1], [0], [0], [0, 0, 1, 0], [], []>, transpose_lhs_hint = false} : vector<1024x384xf32>, vector<256x384xf32>, vector<1024x256xf32> -> vector<1024x256xf32>
    %mul3A_11 = arith.constant 2.000000e+00 : f32
    %mul3A_12 = vector.broadcast %mul3A_11 : f32 to vector<1024x256xf32>
    %mul3A_13 = arith.mulf %mul3A_12, %dot_general3A_10 : vector<1024x256xf32>
    %sub3A = vector.broadcast %broadcast_in_dim3A : vector<1024x1xf32> to vector<1024x256xf32>
    %sub3A_14 = arith.subf %sub3A, %mul3A_13 : vector<1024x256xf32>
    %get3A_15 = arith.constant 0 : index
    %get3A_16 = arith.constant 0 : index
    %get3A_17 = vector.load %arg4[%get3A_15, %get3A_16] : memref<1x1024xf32, #tpu.memory_space<vmem>>, vector<1x256xf32>
    %add3A = vector.broadcast %get3A_17 : vector<1x256xf32> to vector<1024x256xf32>
    %add3A_18 = arith.addf %sub3A_14, %add3A : vector<1024x256xf32>
    %broadcast_in_dim3A_19 = arith.constant 0 : i32
    %broadcast_in_dim3A_20 = vector.broadcast %broadcast_in_dim3A_19 : i32 to vector<1024x256xi32>
    %slice3A_21 = vector.extract_strided_slice %get3A_1 {offsets = [256, 0], sizes = [256, 384], strides = [1, 1]} : vector<1024x384xf32> to vector<256x384xf32>
    %dot_general3A_22 = arith.constant dense<0.000000e+00> : vector<1024x256xf32>
    %dot_general3A_23 = tpu.matmul %transpose3A, %slice3A_21, %dot_general3A_22 {dimension_numbers = #tpu.dot_dimension_numbers<[1], [1], [0], [0], [0, 0, 1, 0], [], []>, transpose_lhs_hint = false} : vector<1024x384xf32>, vector<256x384xf32>, vector<1024x256xf32> -> vector<1024x256xf32>
    %mul3A_24 = arith.constant 2.000000e+00 : f32
    %mul3A_25 = vector.broadcast %mul3A_24 : f32 to vector<1024x256xf32>
    %mul3A_26 = arith.mulf %mul3A_25, %dot_general3A_23 : vector<1024x256xf32>
    %sub3A_27 = vector.broadcast %broadcast_in_dim3A : vector<1024x1xf32> to vector<1024x256xf32>
    %sub3A_28 = arith.subf %sub3A_27, %mul3A_26 : vector<1024x256xf32>
    %get3A_29 = arith.constant 0 : index
    %get3A_30 = arith.constant 256 : index
    %get3A_31 = vector.load %arg4[%get3A_29, %get3A_30] : memref<1x1024xf32, #tpu.memory_space<vmem>>, vector<1x256xf32>
    %add3A_32 = vector.broadcast %get3A_31 : vector<1x256xf32> to vector<1024x256xf32>
    %add3A_33 = arith.addf %sub3A_28, %add3A_32 : vector<1024x256xf32>
    %lt3A = arith.cmpf olt, %add3A_33, %add3A_18 : vector<1024x256xf32>
    %select_n3A = arith.select %lt3A, %add3A_33, %add3A_18 : vector<1024x256xi1>, vector<1024x256xf32>
    %jit3A = arith.constant 1 : i32
    %broadcast_in_dim3A_34 = vector.broadcast %jit3A : i32 to vector<1024x256xi32>
    %select_n3A_35 = arith.select %lt3A, %broadcast_in_dim3A_34, %broadcast_in_dim3A_20 : vector<1024x256xi1>, vector<1024x256xi32>
    %slice3A_36 = vector.extract_strided_slice %get3A_1 {offsets = [512, 0], sizes = [256, 384], strides = [1, 1]} : vector<1024x384xf32> to vector<256x384xf32>
    %dot_general3A_37 = arith.constant dense<0.000000e+00> : vector<1024x256xf32>
    %dot_general3A_38 = tpu.matmul %transpose3A, %slice3A_36, %dot_general3A_37 {dimension_numbers = #tpu.dot_dimension_numbers<[1], [1], [0], [0], [0, 0, 1, 0], [], []>, transpose_lhs_hint = false} : vector<1024x384xf32>, vector<256x384xf32>, vector<1024x256xf32> -> vector<1024x256xf32>
    %mul3A_39 = arith.constant 2.000000e+00 : f32
    %mul3A_40 = vector.broadcast %mul3A_39 : f32 to vector<1024x256xf32>
    %mul3A_41 = arith.mulf %mul3A_40, %dot_general3A_38 : vector<1024x256xf32>
    %sub3A_42 = vector.broadcast %broadcast_in_dim3A : vector<1024x1xf32> to vector<1024x256xf32>
    %sub3A_43 = arith.subf %sub3A_42, %mul3A_41 : vector<1024x256xf32>
    %get3A_44 = arith.constant 0 : index
    %get3A_45 = arith.constant 512 : index
    %get3A_46 = vector.load %arg4[%get3A_44, %get3A_45] : memref<1x1024xf32, #tpu.memory_space<vmem>>, vector<1x256xf32>
    %add3A_47 = vector.broadcast %get3A_46 : vector<1x256xf32> to vector<1024x256xf32>
    %add3A_48 = arith.addf %sub3A_43, %add3A_47 : vector<1024x256xf32>
    %lt3A_49 = arith.cmpf olt, %add3A_48, %select_n3A : vector<1024x256xf32>
    %select_n3A_50 = arith.select %lt3A_49, %add3A_48, %select_n3A : vector<1024x256xi1>, vector<1024x256xf32>
    %jit3A_51 = arith.constant 2 : i32
    %broadcast_in_dim3A_52 = vector.broadcast %jit3A_51 : i32 to vector<1024x256xi32>
    %select_n3A_53 = arith.select %lt3A_49, %broadcast_in_dim3A_52, %select_n3A_35 : vector<1024x256xi1>, vector<1024x256xi32>
    %slice3A_54 = vector.extract_strided_slice %get3A_1 {offsets = [768, 0], sizes = [256, 384], strides = [1, 1]} : vector<1024x384xf32> to vector<256x384xf32>
    %dot_general3A_55 = arith.constant dense<0.000000e+00> : vector<1024x256xf32>
    %dot_general3A_56 = tpu.matmul %transpose3A, %slice3A_54, %dot_general3A_55 {dimension_numbers = #tpu.dot_dimension_numbers<[1], [1], [0], [0], [0, 0, 1, 0], [], []>, transpose_lhs_hint = false} : vector<1024x384xf32>, vector<256x384xf32>, vector<1024x256xf32> -> vector<1024x256xf32>
    %mul3A_57 = arith.constant 2.000000e+00 : f32
    %mul3A_58 = vector.broadcast %mul3A_57 : f32 to vector<1024x256xf32>
    %mul3A_59 = arith.mulf %mul3A_58, %dot_general3A_56 : vector<1024x256xf32>
    %sub3A_60 = vector.broadcast %broadcast_in_dim3A : vector<1024x1xf32> to vector<1024x256xf32>
    %sub3A_61 = arith.subf %sub3A_60, %mul3A_59 : vector<1024x256xf32>
    %get3A_62 = arith.constant 0 : index
    %get3A_63 = arith.constant 768 : index
    %get3A_64 = vector.load %arg4[%get3A_62, %get3A_63] : memref<1x1024xf32, #tpu.memory_space<vmem>>, vector<1x256xf32>
    %add3A_65 = vector.broadcast %get3A_64 : vector<1x256xf32> to vector<1024x256xf32>
    %add3A_66 = arith.addf %sub3A_61, %add3A_65 : vector<1024x256xf32>
    %lt3A_67 = arith.cmpf olt, %add3A_66, %select_n3A_50 : vector<1024x256xf32>
    %select_n3A_68 = arith.select %lt3A_67, %add3A_66, %select_n3A_50 : vector<1024x256xi1>, vector<1024x256xf32>
    %jit3A_69 = arith.constant 3 : i32
    %broadcast_in_dim3A_70 = vector.broadcast %jit3A_69 : i32 to vector<1024x256xi32>
    %select_n3A_71 = arith.select %lt3A_67, %broadcast_in_dim3A_70, %select_n3A_53 : vector<1024x256xi1>, vector<1024x256xi32>
    %iota3A = tpu.iota {dimensions = array<i32: 1>} : vector<1024x256xi32>
    %mul3A_72 = arith.constant 256 : i32
    %mul3A_73 = vector.broadcast %mul3A_72 : i32 to vector<1024x256xi32>
    %mul3A_74 = arith.muli %select_n3A_71, %mul3A_73 : vector<1024x256xi32>
    %add3A_75 = arith.addi %mul3A_74, %iota3A : vector<1024x256xi32>
    %transpose3A_76 = tpu.transpose %select_n3A_68, [1, 0] : vector<1024x256xf32> -> vector<256x1024xf32>
    %transpose3A_77 = tpu.transpose %add3A_75, [1, 0] : vector<1024x256xi32> -> vector<256x1024xi32>
    %reduce_min3A = arith.constant dense<0x7F800000> : vector<1024xf32>
    %reduce_min3A_78 = vector.multi_reduction <minimumf>, %transpose3A_76, %reduce_min3A [0] : vector<256x1024xf32> to vector<1024xf32>
    %broadcast_in_dim3A_79 = vector.shape_cast %reduce_min3A_78 : vector<1024xf32> to vector<1x1024xf32>
    %eq3A_80 = vector.broadcast %broadcast_in_dim3A_79 : vector<1x1024xf32> to vector<256x1024xf32>
    %eq3A_81 = arith.cmpf oeq, %transpose3A_76, %eq3A_80 : vector<256x1024xf32>
    %jit3A_82 = arith.constant 1024 : i32
    %broadcast_in_dim3A_83 = vector.broadcast %jit3A_82 : i32 to vector<256x1024xi32>
    %select_n3A_84 = arith.select %eq3A_81, %transpose3A_77, %broadcast_in_dim3A_83 : vector<256x1024xi1>, vector<256x1024xi32>
    %reduce_min3A_85 = arith.constant dense<2147483647> : vector<1024xi32>
    %reduce_min3A_86 = vector.multi_reduction <minsi>, %select_n3A_84, %reduce_min3A_85 [0] : vector<256x1024xi32> to vector<1024xi32>
    %swap3A = arith.constant 0 : index
    %swap3A_87 = arith.constant 0 : index
    %swap3A_88 = arith.constant 0 : index
    %swap3A_89 = vector.load %arg3[%swap3A, %swap3A_87, %swap3A_88] : memref<4x1x1024xi32, #tpu.memory_space<vmem>>, vector<1x1x1024xi32>
    %swap3A_90 = vector.shape_cast %swap3A_89 : vector<1x1x1024xi32> to vector<1024xi32>
    %swap3A_91 = vector.shape_cast %reduce_min3A_86 : vector<1024xi32> to vector<1x1x1024xi32>
    tpu.vector_store %arg3[%swap3A, %swap3A_87, %swap3A_88], %swap3A_91 {strides = array<i32>} : memref<4x1x1024xi32, #tpu.memory_space<vmem>>, vector<1x1x1024xi32>,
    %get3A_92 = arith.constant 1 : index
    %get3A_93 = arith.constant 0 : index
    %get3A_94 = arith.constant 0 : index
    %get3A_95 = vector.load %arg1[%get3A_92, %get3A_93, %get3A_94] : memref<4x384x1024xf32, #tpu.memory_space<vmem>>, vector<1x384x1024xf32>
    %get3A_96 = vector.shape_cast %get3A_95 : vector<1x384x1024xf32> to vector<384x1024xf32>
    %transpose3A_97 = tpu.transpose %get3A_96, [1, 0] : vector<384x1024xf32> -> vector<1024x384xf32>
    %mul3A_98 = arith.mulf %get3A_96, %get3A_96 : vector<384x1024xf32>
    %reduce_sum3A_99 = arith.constant dense<0.000000e+00> : vector<1024xf32>
    %reduce_sum3A_100 = vector.multi_reduction <add>, %mul3A_98, %reduce_sum3A_99 [0] : vector<384x1024xf32> to vector<1024xf32>
    %broadcast_in_dim3A_101 = vector.shape_cast %reduce_sum3A_100 : vector<1024xf32> to vector<1024x1xf32>
    %slice3A_102 = vector.extract_strided_slice %get3A_1 {offsets = [0, 0], sizes = [256, 384], strides = [1, 1]} : vector<1024x384xf32> to vector<256x384xf32>
    %dot_general3A_103 = arith.constant dense<0.000000e+00> : vector<1024x256xf32>
    %dot_general3A_104 = tpu.matmul %transpose3A_97, %slice3A_102, %dot_general3A_103 {dimension_numbers = #tpu.dot_dimension_numbers<[1], [1], [0], [0], [0, 0, 1, 0], [], []>, transpose_lhs_hint = false} : vector<1024x384xf32>, vector<256x384xf32>, vector<1024x256xf32> -> vector<1024x256xf32>
    %mul3A_105 = arith.constant 2.000000e+00 : f32
    %mul3A_106 = vector.broadcast %mul3A_105 : f32 to vector<1024x256xf32>
    %mul3A_107 = arith.mulf %mul3A_106, %dot_general3A_104 : vector<1024x256xf32>
    %sub3A_108 = vector.broadcast %broadcast_in_dim3A_101 : vector<1024x1xf32> to vector<1024x256xf32>
    %sub3A_109 = arith.subf %sub3A_108, %mul3A_107 : vector<1024x256xf32>
    %get3A_110 = arith.constant 0 : index
    %get3A_111 = arith.constant 0 : index
    %get3A_112 = vector.load %arg4[%get3A_110, %get3A_111] : memref<1x1024xf32, #tpu.memory_space<vmem>>, vector<1x256xf32>
    %add3A_113 = vector.broadcast %get3A_112 : vector<1x256xf32> to vector<1024x256xf32>
    %add3A_114 = arith.addf %sub3A_109, %add3A_113 : vector<1024x256xf32>
    %broadcast_in_dim3A_115 = arith.constant 0 : i32
    %broadcast_in_dim3A_116 = vector.broadcast %broadcast_in_dim3A_115 : i32 to vector<1024x256xi32>
    %slice3A_117 = vector.extract_strided_slice %get3A_1 {offsets = [256, 0], sizes = [256, 384], strides = [1, 1]} : vector<1024x384xf32> to vector<256x384xf32>
    %dot_general3A_118 = arith.constant dense<0.000000e+00> : vector<1024x256xf32>
    %dot_general3A_119 = tpu.matmul %transpose3A_97, %slice3A_117, %dot_general3A_118 {dimension_numbers = #tpu.dot_dimension_numbers<[1], [1], [0], [0], [0, 0, 1, 0], [], []>, transpose_lhs_hint = false} : vector<1024x384xf32>, vector<256x384xf32>, vector<1024x256xf32> -> vector<1024x256xf32>
    %mul3A_120 = arith.constant 2.000000e+00 : f32
    %mul3A_121 = vector.broadcast %mul3A_120 : f32 to vector<1024x256xf32>
    %mul3A_122 = arith.mulf %mul3A_121, %dot_general3A_119 : vector<1024x256xf32>
    %sub3A_123 = vector.broadcast %broadcast_in_dim3A_101 : vector<1024x1xf32> to vector<1024x256xf32>
    %sub3A_124 = arith.subf %sub3A_123, %mul3A_122 : vector<1024x256xf32>
    %get3A_125 = arith.constant 0 : index
    %get3A_126 = arith.constant 256 : index
    %get3A_127 = vector.load %arg4[%get3A_125, %get3A_126] : memref<1x1024xf32, #tpu.memory_space<vmem>>, vector<1x256xf32>
    %add3A_128 = vector.broadcast %get3A_127 : vector<1x256xf32> to vector<1024x256xf32>
    %add3A_129 = arith.addf %sub3A_124, %add3A_128 : vector<1024x256xf32>
    %lt3A_130 = arith.cmpf olt, %add3A_129, %add3A_114 : vector<1024x256xf32>
    %select_n3A_131 = arith.select %lt3A_130, %add3A_129, %add3A_114 : vector<1024x256xi1>, vector<1024x256xf32>
    %jit3A_132 = arith.constant 1 : i32
    %broadcast_in_dim3A_133 = vector.broadcast %jit3A_132 : i32 to vector<1024x256xi32>
    %select_n3A_134 = arith.select %lt3A_130, %broadcast_in_dim3A_133, %broadcast_in_dim3A_116 : vector<1024x256xi1>, vector<1024x256xi32>
    %slice3A_135 = vector.extract_strided_slice %get3A_1 {offsets = [512, 0], sizes = [256, 384], strides = [1, 1]} : vector<1024x384xf32> to vector<256x384xf32>
    %dot_general3A_136 = arith.constant dense<0.000000e+00> : vector<1024x256xf32>
    %dot_general3A_137 = tpu.matmul %transpose3A_97, %slice3A_135, %dot_general3A_136 {dimension_numbers = #tpu.dot_dimension_numbers<[1], [1], [0], [0], [0, 0, 1, 0], [], []>, transpose_lhs_hint = false} : vector<1024x384xf32>, vector<256x384xf32>, vector<1024x256xf32> -> vector<1024x256xf32>
    %mul3A_138 = arith.constant 2.000000e+00 : f32
    %mul3A_139 = vector.broadcast %mul3A_138 : f32 to vector<1024x256xf32>
    %mul3A_140 = arith.mulf %mul3A_139, %dot_general3A_137 : vector<1024x256xf32>
    %sub3A_141 = vector.broadcast %broadcast_in_dim3A_101 : vector<1024x1xf32> to vector<1024x256xf32>
    %sub3A_142 = arith.subf %sub3A_141, %mul3A_140 : vector<1024x256xf32>
    %get3A_143 = arith.constant 0 : index
    %get3A_144 = arith.constant 512 : index
    %get3A_145 = vector.load %arg4[%get3A_143, %get3A_144] : memref<1x1024xf32, #tpu.memory_space<vmem>>, vector<1x256xf32>
    %add3A_146 = vector.broadcast %get3A_145 : vector<1x256xf32> to vector<1024x256xf32>
    %add3A_147 = arith.addf %sub3A_142, %add3A_146 : vector<1024x256xf32>
    %lt3A_148 = arith.cmpf olt, %add3A_147, %select_n3A_131 : vector<1024x256xf32>
    %select_n3A_149 = arith.select %lt3A_148, %add3A_147, %select_n3A_131 : vector<1024x256xi1>, vector<1024x256xf32>
    %jit3A_150 = arith.constant 2 : i32
    %broadcast_in_dim3A_151 = vector.broadcast %jit3A_150 : i32 to vector<1024x256xi32>
    %select_n3A_152 = arith.select %lt3A_148, %broadcast_in_dim3A_151, %select_n3A_134 : vector<1024x256xi1>, vector<1024x256xi32>
    %slice3A_153 = vector.extract_strided_slice %get3A_1 {offsets = [768, 0], sizes = [256, 384], strides = [1, 1]} : vector<1024x384xf32> to vector<256x384xf32>
    %dot_general3A_154 = arith.constant dense<0.000000e+00> : vector<1024x256xf32>
    %dot_general3A_155 = tpu.matmul %transpose3A_97, %slice3A_153, %dot_general3A_154 {dimension_numbers = #tpu.dot_dimension_numbers<[1], [1], [0], [0], [0, 0, 1, 0], [], []>, transpose_lhs_hint = false} : vector<1024x384xf32>, vector<256x384xf32>, vector<1024x256xf32> -> vector<1024x256xf32>
    %mul3A_156 = arith.constant 2.000000e+00 : f32
    %mul3A_157 = vector.broadcast %mul3A_156 : f32 to vector<1024x256xf32>
    %mul3A_158 = arith.mulf %mul3A_157, %dot_general3A_155 : vector<1024x256xf32>
    %sub3A_159 = vector.broadcast %broadcast_in_dim3A_101 : vector<1024x1xf32> to vector<1024x256xf32>
    %sub3A_160 = arith.subf %sub3A_159, %mul3A_158 : vector<1024x256xf32>
    %get3A_161 = arith.constant 0 : index
    %get3A_162 = arith.constant 768 : index
    %get3A_163 = vector.load %arg4[%get3A_161, %get3A_162] : memref<1x1024xf32, #tpu.memory_space<vmem>>, vector<1x256xf32>
    %add3A_164 = vector.broadcast %get3A_163 : vector<1x256xf32> to vector<1024x256xf32>
    %add3A_165 = arith.addf %sub3A_160, %add3A_164 : vector<1024x256xf32>
    %lt3A_166 = arith.cmpf olt, %add3A_165, %select_n3A_149 : vector<1024x256xf32>
    %select_n3A_167 = arith.select %lt3A_166, %add3A_165, %select_n3A_149 : vector<1024x256xi1>, vector<1024x256xf32>
    %jit3A_168 = arith.constant 3 : i32
    %broadcast_in_dim3A_169 = vector.broadcast %jit3A_168 : i32 to vector<1024x256xi32>
    %select_n3A_170 = arith.select %lt3A_166, %broadcast_in_dim3A_169, %select_n3A_152 : vector<1024x256xi1>, vector<1024x256xi32>
    %iota3A_171 = tpu.iota {dimensions = array<i32: 1>} : vector<1024x256xi32>
    %mul3A_172 = arith.constant 256 : i32
    %mul3A_173 = vector.broadcast %mul3A_172 : i32 to vector<1024x256xi32>
    %mul3A_174 = arith.muli %select_n3A_170, %mul3A_173 : vector<1024x256xi32>
    %add3A_175 = arith.addi %mul3A_174, %iota3A_171 : vector<1024x256xi32>
    %transpose3A_176 = tpu.transpose %select_n3A_167, [1, 0] : vector<1024x256xf32> -> vector<256x1024xf32>
    %transpose3A_177 = tpu.transpose %add3A_175, [1, 0] : vector<1024x256xi32> -> vector<256x1024xi32>
    %reduce_min3A_178 = arith.constant dense<0x7F800000> : vector<1024xf32>
    %reduce_min3A_179 = vector.multi_reduction <minimumf>, %transpose3A_176, %reduce_min3A_178 [0] : vector<256x1024xf32> to vector<1024xf32>
    %broadcast_in_dim3A_180 = vector.shape_cast %reduce_min3A_179 : vector<1024xf32> to vector<1x1024xf32>
    %eq3A_181 = vector.broadcast %broadcast_in_dim3A_180 : vector<1x1024xf32> to vector<256x1024xf32>
    %eq3A_182 = arith.cmpf oeq, %transpose3A_176, %eq3A_181 : vector<256x1024xf32>
    %jit3A_183 = arith.constant 1024 : i32
    %broadcast_in_dim3A_184 = vector.broadcast %jit3A_183 : i32 to vector<256x1024xi32>
    %select_n3A_185 = arith.select %eq3A_182, %transpose3A_177, %broadcast_in_dim3A_184 : vector<256x1024xi1>, vector<256x1024xi32>
    %reduce_min3A_186 = arith.constant dense<2147483647> : vector<1024xi32>
    %reduce_min3A_187 = vector.multi_reduction <minsi>, %select_n3A_185, %reduce_min3A_186 [0] : vector<256x1024xi32> to vector<1024xi32>
    %swap3A_188 = arith.constant 1 : index
    %swap3A_189 = arith.constant 0 : index
    %swap3A_190 = arith.constant 0 : index
    %swap3A_191 = vector.load %arg3[%swap3A_188, %swap3A_189, %swap3A_190] : memref<4x1x1024xi32, #tpu.memory_space<vmem>>, vector<1x1x1024xi32>
    %swap3A_192 = vector.shape_cast %swap3A_191 : vector<1x1x1024xi32> to vector<1024xi32>
    %swap3A_193 = vector.shape_cast %reduce_min3A_187 : vector<1024xi32> to vector<1x1x1024xi32>
    tpu.vector_store %arg3[%swap3A_188, %swap3A_189, %swap3A_190], %swap3A_193 {strides = array<i32>} : memref<4x1x1024xi32, #tpu.memory_space<vmem>>, vector<1x1x1024xi32>,
    %get3A_194 = arith.constant 2 : index
    %get3A_195 = arith.constant 0 : index
    %get3A_196 = arith.constant 0 : index
    %get3A_197 = vector.load %arg1[%get3A_194, %get3A_195, %get3A_196] : memref<4x384x1024xf32, #tpu.memory_space<vmem>>, vector<1x384x1024xf32>
    %get3A_198 = vector.shape_cast %get3A_197 : vector<1x384x1024xf32> to vector<384x1024xf32>
    %transpose3A_199 = tpu.transpose %get3A_198, [1, 0] : vector<384x1024xf32> -> vector<1024x384xf32>
    %mul3A_200 = arith.mulf %get3A_198, %get3A_198 : vector<384x1024xf32>
    %reduce_sum3A_201 = arith.constant dense<0.000000e+00> : vector<1024xf32>
    %reduce_sum3A_202 = vector.multi_reduction <add>, %mul3A_200, %reduce_sum3A_201 [0] : vector<384x1024xf32> to vector<1024xf32>
    %broadcast_in_dim3A_203 = vector.shape_cast %reduce_sum3A_202 : vector<1024xf32> to vector<1024x1xf32>
    %slice3A_204 = vector.extract_strided_slice %get3A_1 {offsets = [0, 0], sizes = [256, 384], strides = [1, 1]} : vector<1024x384xf32> to vector<256x384xf32>
    %dot_general3A_205 = arith.constant dense<0.000000e+00> : vector<1024x256xf32>
    %dot_general3A_206 = tpu.matmul %transpose3A_199, %slice3A_204, %dot_general3A_205 {dimension_numbers = #tpu.dot_dimension_numbers<[1], [1], [0], [0], [0, 0, 1, 0], [], []>, transpose_lhs_hint = false} : vector<1024x384xf32>, vector<256x384xf32>, vector<1024x256xf32> -> vector<1024x256xf32>
    %mul3A_207 = arith.constant 2.000000e+00 : f32
    %mul3A_208 = vector.broadcast %mul3A_207 : f32 to vector<1024x256xf32>
    %mul3A_209 = arith.mulf %mul3A_208, %dot_general3A_206 : vector<1024x256xf32>
    %sub3A_210 = vector.broadcast %broadcast_in_dim3A_203 : vector<1024x1xf32> to vector<1024x256xf32>
    %sub3A_211 = arith.subf %sub3A_210, %mul3A_209 : vector<1024x256xf32>
    %get3A_212 = arith.constant 0 : index
    %get3A_213 = arith.constant 0 : index
    %get3A_214 = vector.load %arg4[%get3A_212, %get3A_213] : memref<1x1024xf32, #tpu.memory_space<vmem>>, vector<1x256xf32>
    %add3A_215 = vector.broadcast %get3A_214 : vector<1x256xf32> to vector<1024x256xf32>
    %add3A_216 = arith.addf %sub3A_211, %add3A_215 : vector<1024x256xf32>
    %broadcast_in_dim3A_217 = arith.constant 0 : i32
    %broadcast_in_dim3A_218 = vector.broadcast %broadcast_in_dim3A_217 : i32 to vector<1024x256xi32>
    %slice3A_219 = vector.extract_strided_slice %get3A_1 {offsets = [256, 0], sizes = [256, 384], strides = [1, 1]} : vector<1024x384xf32> to vector<256x384xf32>
    %dot_general3A_220 = arith.constant dense<0.000000e+00> : vector<1024x256xf32>
    %dot_general3A_221 = tpu.matmul %transpose3A_199, %slice3A_219, %dot_general3A_220 {dimension_numbers = #tpu.dot_dimension_numbers<[1], [1], [0], [0], [0, 0, 1, 0], [], []>, transpose_lhs_hint = false} : vector<1024x384xf32>, vector<256x384xf32>, vector<1024x256xf32> -> vector<1024x256xf32>
    %mul3A_222 = arith.constant 2.000000e+00 : f32
    %mul3A_223 = vector.broadcast %mul3A_222 : f32 to vector<1024x256xf32>
    %mul3A_224 = arith.mulf %mul3A_223, %dot_general3A_221 : vector<1024x256xf32>
    %sub3A_225 = vector.broadcast %broadcast_in_dim3A_203 : vector<1024x1xf32> to vector<1024x256xf32>
    %sub3A_226 = arith.subf %sub3A_225, %mul3A_224 : vector<1024x256xf32>
    %get3A_227 = arith.constant 0 : index
    %get3A_228 = arith.constant 256 : index
    %get3A_229 = vector.load %arg4[%get3A_227, %get3A_228] : memref<1x1024xf32, #tpu.memory_space<vmem>>, vector<1x256xf32>
    %add3A_230 = vector.broadcast %get3A_229 : vector<1x256xf32> to vector<1024x256xf32>
    %add3A_231 = arith.addf %sub3A_226, %add3A_230 : vector<1024x256xf32>
    %lt3A_232 = arith.cmpf olt, %add3A_231, %add3A_216 : vector<1024x256xf32>
    %select_n3A_233 = arith.select %lt3A_232, %add3A_231, %add3A_216 : vector<1024x256xi1>, vector<1024x256xf32>
    %jit3A_234 = arith.constant 1 : i32
    %broadcast_in_dim3A_235 = vector.broadcast %jit3A_234 : i32 to vector<1024x256xi32>
    %select_n3A_236 = arith.select %lt3A_232, %broadcast_in_dim3A_235, %broadcast_in_dim3A_218 : vector<1024x256xi1>, vector<1024x256xi32>
    %slice3A_237 = vector.extract_strided_slice %get3A_1 {offsets = [512, 0], sizes = [256, 384], strides = [1, 1]} : vector<1024x384xf32> to vector<256x384xf32>
    %dot_general3A_238 = arith.constant dense<0.000000e+00> : vector<1024x256xf32>
    %dot_general3A_239 = tpu.matmul %transpose3A_199, %slice3A_237, %dot_general3A_238 {dimension_numbers = #tpu.dot_dimension_numbers<[1], [1], [0], [0], [0, 0, 1, 0], [], []>, transpose_lhs_hint = false} : vector<1024x384xf32>, vector<256x384xf32>, vector<1024x256xf32> -> vector<1024x256xf32>
    %mul3A_240 = arith.constant 2.000000e+00 : f32
    %mul3A_241 = vector.broadcast %mul3A_240 : f32 to vector<1024x256xf32>
    %mul3A_242 = arith.mulf %mul3A_241, %dot_general3A_239 : vector<1024x256xf32>
    %sub3A_243 = vector.broadcast %broadcast_in_dim3A_203 : vector<1024x1xf32> to vector<1024x256xf32>
    %sub3A_244 = arith.subf %sub3A_243, %mul3A_242 : vector<1024x256xf32>
    %get3A_245 = arith.constant 0 : index
    %get3A_246 = arith.constant 512 : index
    %get3A_247 = vector.load %arg4[%get3A_245, %get3A_246] : memref<1x1024xf32, #tpu.memory_space<vmem>>, vector<1x256xf32>
    %add3A_248 = vector.broadcast %get3A_247 : vector<1x256xf32> to vector<1024x256xf32>
    %add3A_249 = arith.addf %sub3A_244, %add3A_248 : vector<1024x256xf32>
    %lt3A_250 = arith.cmpf olt, %add3A_249, %select_n3A_233 : vector<1024x256xf32>
    %select_n3A_251 = arith.select %lt3A_250, %add3A_249, %select_n3A_233 : vector<1024x256xi1>, vector<1024x256xf32>
    %jit3A_252 = arith.constant 2 : i32
    %broadcast_in_dim3A_253 = vector.broadcast %jit3A_252 : i32 to vector<1024x256xi32>
    %select_n3A_254 = arith.select %lt3A_250, %broadcast_in_dim3A_253, %select_n3A_236 : vector<1024x256xi1>, vector<1024x256xi32>
    %slice3A_255 = vector.extract_strided_slice %get3A_1 {offsets = [768, 0], sizes = [256, 384], strides = [1, 1]} : vector<1024x384xf32> to vector<256x384xf32>
    %dot_general3A_256 = arith.constant dense<0.000000e+00> : vector<1024x256xf32>
    %dot_general3A_257 = tpu.matmul %transpose3A_199, %slice3A_255, %dot_general3A_256 {dimension_numbers = #tpu.dot_dimension_numbers<[1], [1], [0], [0], [0, 0, 1, 0], [], []>, transpose_lhs_hint = false} : vector<1024x384xf32>, vector<256x384xf32>, vector<1024x256xf32> -> vector<1024x256xf32>
    %mul3A_258 = arith.constant 2.000000e+00 : f32
    %mul3A_259 = vector.broadcast %mul3A_258 : f32 to vector<1024x256xf32>
    %mul3A_260 = arith.mulf %mul3A_259, %dot_general3A_257 : vector<1024x256xf32>
    %sub3A_261 = vector.broadcast %broadcast_in_dim3A_203 : vector<1024x1xf32> to vector<1024x256xf32>
    %sub3A_262 = arith.subf %sub3A_261, %mul3A_260 : vector<1024x256xf32>
    %get3A_263 = arith.constant 0 : index
    %get3A_264 = arith.constant 768 : index
    %get3A_265 = vector.load %arg4[%get3A_263, %get3A_264] : memref<1x1024xf32, #tpu.memory_space<vmem>>, vector<1x256xf32>
    %add3A_266 = vector.broadcast %get3A_265 : vector<1x256xf32> to vector<1024x256xf32>
    %add3A_267 = arith.addf %sub3A_262, %add3A_266 : vector<1024x256xf32>
    %lt3A_268 = arith.cmpf olt, %add3A_267, %select_n3A_251 : vector<1024x256xf32>
    %select_n3A_269 = arith.select %lt3A_268, %add3A_267, %select_n3A_251 : vector<1024x256xi1>, vector<1024x256xf32>
    %jit3A_270 = arith.constant 3 : i32
    %broadcast_in_dim3A_271 = vector.broadcast %jit3A_270 : i32 to vector<1024x256xi32>
    %select_n3A_272 = arith.select %lt3A_268, %broadcast_in_dim3A_271, %select_n3A_254 : vector<1024x256xi1>, vector<1024x256xi32>
    %iota3A_273 = tpu.iota {dimensions = array<i32: 1>} : vector<1024x256xi32>
    %mul3A_274 = arith.constant 256 : i32
    %mul3A_275 = vector.broadcast %mul3A_274 : i32 to vector<1024x256xi32>
    %mul3A_276 = arith.muli %select_n3A_272, %mul3A_275 : vector<1024x256xi32>
    %add3A_277 = arith.addi %mul3A_276, %iota3A_273 : vector<1024x256xi32>
    %transpose3A_278 = tpu.transpose %select_n3A_269, [1, 0] : vector<1024x256xf32> -> vector<256x1024xf32>
    %transpose3A_279 = tpu.transpose %add3A_277, [1, 0] : vector<1024x256xi32> -> vector<256x1024xi32>
    %reduce_min3A_280 = arith.constant dense<0x7F800000> : vector<1024xf32>
    %reduce_min3A_281 = vector.multi_reduction <minimumf>, %transpose3A_278, %reduce_min3A_280 [0] : vector<256x1024xf32> to vector<1024xf32>
    %broadcast_in_dim3A_282 = vector.shape_cast %reduce_min3A_281 : vector<1024xf32> to vector<1x1024xf32>
    %eq3A_283 = vector.broadcast %broadcast_in_dim3A_282 : vector<1x1024xf32> to vector<256x1024xf32>
    %eq3A_284 = arith.cmpf oeq, %transpose3A_278, %eq3A_283 : vector<256x1024xf32>
    %jit3A_285 = arith.constant 1024 : i32
    %broadcast_in_dim3A_286 = vector.broadcast %jit3A_285 : i32 to vector<256x1024xi32>
    %select_n3A_287 = arith.select %eq3A_284, %transpose3A_279, %broadcast_in_dim3A_286 : vector<256x1024xi1>, vector<256x1024xi32>
    %reduce_min3A_288 = arith.constant dense<2147483647> : vector<1024xi32>
    %reduce_min3A_289 = vector.multi_reduction <minsi>, %select_n3A_287, %reduce_min3A_288 [0] : vector<256x1024xi32> to vector<1024xi32>
    %swap3A_290 = arith.constant 2 : index
    %swap3A_291 = arith.constant 0 : index
    %swap3A_292 = arith.constant 0 : index
    %swap3A_293 = vector.load %arg3[%swap3A_290, %swap3A_291, %swap3A_292] : memref<4x1x1024xi32, #tpu.memory_space<vmem>>, vector<1x1x1024xi32>
    %swap3A_294 = vector.shape_cast %swap3A_293 : vector<1x1x1024xi32> to vector<1024xi32>
    %swap3A_295 = vector.shape_cast %reduce_min3A_289 : vector<1024xi32> to vector<1x1x1024xi32>
    tpu.vector_store %arg3[%swap3A_290, %swap3A_291, %swap3A_292], %swap3A_295 {strides = array<i32>} : memref<4x1x1024xi32, #tpu.memory_space<vmem>>, vector<1x1x1024xi32>,
    %get3A_296 = arith.constant 3 : index
    %get3A_297 = arith.constant 0 : index
    %get3A_298 = arith.constant 0 : index
    %get3A_299 = vector.load %arg1[%get3A_296, %get3A_297, %get3A_298] : memref<4x384x1024xf32, #tpu.memory_space<vmem>>, vector<1x384x1024xf32>
    %get3A_300 = vector.shape_cast %get3A_299 : vector<1x384x1024xf32> to vector<384x1024xf32>
    %transpose3A_301 = tpu.transpose %get3A_300, [1, 0] : vector<384x1024xf32> -> vector<1024x384xf32>
    %mul3A_302 = arith.mulf %get3A_300, %get3A_300 : vector<384x1024xf32>
    %reduce_sum3A_303 = arith.constant dense<0.000000e+00> : vector<1024xf32>
    %reduce_sum3A_304 = vector.multi_reduction <add>, %mul3A_302, %reduce_sum3A_303 [0] : vector<384x1024xf32> to vector<1024xf32>
    %broadcast_in_dim3A_305 = vector.shape_cast %reduce_sum3A_304 : vector<1024xf32> to vector<1024x1xf32>
    %slice3A_306 = vector.extract_strided_slice %get3A_1 {offsets = [0, 0], sizes = [256, 384], strides = [1, 1]} : vector<1024x384xf32> to vector<256x384xf32>
    %dot_general3A_307 = arith.constant dense<0.000000e+00> : vector<1024x256xf32>
    %dot_general3A_308 = tpu.matmul %transpose3A_301, %slice3A_306, %dot_general3A_307 {dimension_numbers = #tpu.dot_dimension_numbers<[1], [1], [0], [0], [0, 0, 1, 0], [], []>, transpose_lhs_hint = false} : vector<1024x384xf32>, vector<256x384xf32>, vector<1024x256xf32> -> vector<1024x256xf32>
    %mul3A_309 = arith.constant 2.000000e+00 : f32
    %mul3A_310 = vector.broadcast %mul3A_309 : f32 to vector<1024x256xf32>
    %mul3A_311 = arith.mulf %mul3A_310, %dot_general3A_308 : vector<1024x256xf32>
    %sub3A_312 = vector.broadcast %broadcast_in_dim3A_305 : vector<1024x1xf32> to vector<1024x256xf32>
    %sub3A_313 = arith.subf %sub3A_312, %mul3A_311 : vector<1024x256xf32>
    %get3A_314 = arith.constant 0 : index
    %get3A_315 = arith.constant 0 : index
    %get3A_316 = vector.load %arg4[%get3A_314, %get3A_315] : memref<1x1024xf32, #tpu.memory_space<vmem>>, vector<1x256xf32>
    %add3A_317 = vector.broadcast %get3A_316 : vector<1x256xf32> to vector<1024x256xf32>
    %add3A_318 = arith.addf %sub3A_313, %add3A_317 : vector<1024x256xf32>
    %broadcast_in_dim3A_319 = arith.constant 0 : i32
    %broadcast_in_dim3A_320 = vector.broadcast %broadcast_in_dim3A_319 : i32 to vector<1024x256xi32>
    %slice3A_321 = vector.extract_strided_slice %get3A_1 {offsets = [256, 0], sizes = [256, 384], strides = [1, 1]} : vector<1024x384xf32> to vector<256x384xf32>
    %dot_general3A_322 = arith.constant dense<0.000000e+00> : vector<1024x256xf32>
    %dot_general3A_323 = tpu.matmul %transpose3A_301, %slice3A_321, %dot_general3A_322 {dimension_numbers = #tpu.dot_dimension_numbers<[1], [1], [0], [0], [0, 0, 1, 0], [], []>, transpose_lhs_hint = false} : vector<1024x384xf32>, vector<256x384xf32>, vector<1024x256xf32> -> vector<1024x256xf32>
    %mul3A_324 = arith.constant 2.000000e+00 : f32
    %mul3A_325 = vector.broadcast %mul3A_324 : f32 to vector<1024x256xf32>
    %mul3A_326 = arith.mulf %mul3A_325, %dot_general3A_323 : vector<1024x256xf32>
    %sub3A_327 = vector.broadcast %broadcast_in_dim3A_305 : vector<1024x1xf32> to vector<1024x256xf32>
    %sub3A_328 = arith.subf %sub3A_327, %mul3A_326 : vector<1024x256xf32>
    %get3A_329 = arith.constant 0 : index
    %get3A_330 = arith.constant 256 : index
    %get3A_331 = vector.load %arg4[%get3A_329, %get3A_330] : memref<1x1024xf32, #tpu.memory_space<vmem>>, vector<1x256xf32>
    %add3A_332 = vector.broadcast %get3A_331 : vector<1x256xf32> to vector<1024x256xf32>
    %add3A_333 = arith.addf %sub3A_328, %add3A_332 : vector<1024x256xf32>
    %lt3A_334 = arith.cmpf olt, %add3A_333, %add3A_318 : vector<1024x256xf32>
    %select_n3A_335 = arith.select %lt3A_334, %add3A_333, %add3A_318 : vector<1024x256xi1>, vector<1024x256xf32>
    %jit3A_336 = arith.constant 1 : i32
    %broadcast_in_dim3A_337 = vector.broadcast %jit3A_336 : i32 to vector<1024x256xi32>
    %select_n3A_338 = arith.select %lt3A_334, %broadcast_in_dim3A_337, %broadcast_in_dim3A_320 : vector<1024x256xi1>, vector<1024x256xi32>
    %slice3A_339 = vector.extract_strided_slice %get3A_1 {offsets = [512, 0], sizes = [256, 384], strides = [1, 1]} : vector<1024x384xf32> to vector<256x384xf32>
    %dot_general3A_340 = arith.constant dense<0.000000e+00> : vector<1024x256xf32>
    %dot_general3A_341 = tpu.matmul %transpose3A_301, %slice3A_339, %dot_general3A_340 {dimension_numbers = #tpu.dot_dimension_numbers<[1], [1], [0], [0], [0, 0, 1, 0], [], []>, transpose_lhs_hint = false} : vector<1024x384xf32>, vector<256x384xf32>, vector<1024x256xf32> -> vector<1024x256xf32>
    %mul3A_342 = arith.constant 2.000000e+00 : f32
    %mul3A_343 = vector.broadcast %mul3A_342 : f32 to vector<1024x256xf32>
    %mul3A_344 = arith.mulf %mul3A_343, %dot_general3A_341 : vector<1024x256xf32>
    %sub3A_345 = vector.broadcast %broadcast_in_dim3A_305 : vector<1024x1xf32> to vector<1024x256xf32>
    %sub3A_346 = arith.subf %sub3A_345, %mul3A_344 : vector<1024x256xf32>
    %get3A_347 = arith.constant 0 : index
    %get3A_348 = arith.constant 512 : index
    %get3A_349 = vector.load %arg4[%get3A_347, %get3A_348] : memref<1x1024xf32, #tpu.memory_space<vmem>>, vector<1x256xf32>
    %add3A_350 = vector.broadcast %get3A_349 : vector<1x256xf32> to vector<1024x256xf32>
    %add3A_351 = arith.addf %sub3A_346, %add3A_350 : vector<1024x256xf32>
    %lt3A_352 = arith.cmpf olt, %add3A_351, %select_n3A_335 : vector<1024x256xf32>
    %select_n3A_353 = arith.select %lt3A_352, %add3A_351, %select_n3A_335 : vector<1024x256xi1>, vector<1024x256xf32>
    %jit3A_354 = arith.constant 2 : i32
    %broadcast_in_dim3A_355 = vector.broadcast %jit3A_354 : i32 to vector<1024x256xi32>
    %select_n3A_356 = arith.select %lt3A_352, %broadcast_in_dim3A_355, %select_n3A_338 : vector<1024x256xi1>, vector<1024x256xi32>
    %slice3A_357 = vector.extract_strided_slice %get3A_1 {offsets = [768, 0], sizes = [256, 384], strides = [1, 1]} : vector<1024x384xf32> to vector<256x384xf32>
    %dot_general3A_358 = arith.constant dense<0.000000e+00> : vector<1024x256xf32>
    %dot_general3A_359 = tpu.matmul %transpose3A_301, %slice3A_357, %dot_general3A_358 {dimension_numbers = #tpu.dot_dimension_numbers<[1], [1], [0], [0], [0, 0, 1, 0], [], []>, transpose_lhs_hint = false} : vector<1024x384xf32>, vector<256x384xf32>, vector<1024x256xf32> -> vector<1024x256xf32>
    %mul3A_360 = arith.constant 2.000000e+00 : f32
    %mul3A_361 = vector.broadcast %mul3A_360 : f32 to vector<1024x256xf32>
    %mul3A_362 = arith.mulf %mul3A_361, %dot_general3A_359 : vector<1024x256xf32>
    %sub3A_363 = vector.broadcast %broadcast_in_dim3A_305 : vector<1024x1xf32> to vector<1024x256xf32>
    %sub3A_364 = arith.subf %sub3A_363, %mul3A_362 : vector<1024x256xf32>
    %get3A_365 = arith.constant 0 : index
    %get3A_366 = arith.constant 768 : index
    %get3A_367 = vector.load %arg4[%get3A_365, %get3A_366] : memref<1x1024xf32, #tpu.memory_space<vmem>>, vector<1x256xf32>
    %add3A_368 = vector.broadcast %get3A_367 : vector<1x256xf32> to vector<1024x256xf32>
    %add3A_369 = arith.addf %sub3A_364, %add3A_368 : vector<1024x256xf32>
    %lt3A_370 = arith.cmpf olt, %add3A_369, %select_n3A_353 : vector<1024x256xf32>
    %select_n3A_371 = arith.select %lt3A_370, %add3A_369, %select_n3A_353 : vector<1024x256xi1>, vector<1024x256xf32>
    %jit3A_372 = arith.constant 3 : i32
    %broadcast_in_dim3A_373 = vector.broadcast %jit3A_372 : i32 to vector<1024x256xi32>
    %select_n3A_374 = arith.select %lt3A_370, %broadcast_in_dim3A_373, %select_n3A_356 : vector<1024x256xi1>, vector<1024x256xi32>
    %iota3A_375 = tpu.iota {dimensions = array<i32: 1>} : vector<1024x256xi32>
    %mul3A_376 = arith.constant 256 : i32
    %mul3A_377 = vector.broadcast %mul3A_376 : i32 to vector<1024x256xi32>
    %mul3A_378 = arith.muli %select_n3A_374, %mul3A_377 : vector<1024x256xi32>
    %add3A_379 = arith.addi %mul3A_378, %iota3A_375 : vector<1024x256xi32>
    %transpose3A_380 = tpu.transpose %select_n3A_371, [1, 0] : vector<1024x256xf32> -> vector<256x1024xf32>
    %transpose3A_381 = tpu.transpose %add3A_379, [1, 0] : vector<1024x256xi32> -> vector<256x1024xi32>
    %reduce_min3A_382 = arith.constant dense<0x7F800000> : vector<1024xf32>
    %reduce_min3A_383 = vector.multi_reduction <minimumf>, %transpose3A_380, %reduce_min3A_382 [0] : vector<256x1024xf32> to vector<1024xf32>
    %broadcast_in_dim3A_384 = vector.shape_cast %reduce_min3A_383 : vector<1024xf32> to vector<1x1024xf32>
    %eq3A_385 = vector.broadcast %broadcast_in_dim3A_384 : vector<1x1024xf32> to vector<256x1024xf32>
    %eq3A_386 = arith.cmpf oeq, %transpose3A_380, %eq3A_385 : vector<256x1024xf32>
    %jit3A_387 = arith.constant 1024 : i32
    %broadcast_in_dim3A_388 = vector.broadcast %jit3A_387 : i32 to vector<256x1024xi32>
    %select_n3A_389 = arith.select %eq3A_386, %transpose3A_381, %broadcast_in_dim3A_388 : vector<256x1024xi1>, vector<256x1024xi32>
    %reduce_min3A_390 = arith.constant dense<2147483647> : vector<1024xi32>
    %reduce_min3A_391 = vector.multi_reduction <minsi>, %select_n3A_389, %reduce_min3A_390 [0] : vector<256x1024xi32> to vector<1024xi32>
    %swap3A_392 = arith.constant 3 : index
    %swap3A_393 = arith.constant 0 : index
    %swap3A_394 = arith.constant 0 : index
    %swap3A_395 = vector.load %arg3[%swap3A_392, %swap3A_393, %swap3A_394] : memref<4x1x1024xi32, #tpu.memory_space<vmem>>, vector<1x1x1024xi32>
    %swap3A_396 = vector.shape_cast %swap3A_395 : vector<1x1x1024xi32> to vector<1024xi32>
    %swap3A_397 = vector.shape_cast %reduce_min3A_391 : vector<1024xi32> to vector<1x1x1024xi32>
    tpu.vector_store %arg3[%swap3A_392, %swap3A_393, %swap3A_394], %swap3A_397 {strides = array<i32>} : memref<4x1x1024xi32, #tpu.memory_space<vmem>>, vector<1x1x1024xi32>,
    return
  }
  func.func @transform_0(%arg0: i32) -> (i32, i32, i32) {
    %c0_i32 = arith.constant 0 : i32
    %c0_i32_0 = arith.constant 0 : i32
    %c0_i32_1 = arith.constant 0 : i32
    return %arg0, %c0_i32, %c0_i32_0 : i32, i32, i32
  }
  func.func @transform_1(%arg0: i32) -> (i32, i32) {
    %c0_i32 = arith.constant 0 : i32
    %c0_i32_0 = arith.constant 0 : i32
    %c0_i32_1 = arith.constant 0 : i32
    return %c0_i32, %c0_i32_0 : i32, i32
  }
  func.func @transform_2(%arg0: i32) -> (i32, i32, i32) {
    %c0_i32 = arith.constant 0 : i32
    %c0_i32_0 = arith.constant 0 : i32
    %c0_i32_1 = arith.constant 0 : i32
    return %arg0, %c0_i32, %c0_i32_0 : i32, i32, i32
  }
}

</mosaic_0001>

<sc_bundles>
// kernel: kernel.4.cloned.1.call-start
scs
__scs_entry_jumppad:
0x0: {  	(pc) =	sbr.rel $0x88, $3  }
0x1: {  	(tag) =	ssettag $0x0;
	lr =	simm.s32 $0x1  }
0x2: {  	[smem:$0x3F9F] =	sst lr;
	_ =	strace $0xD0000000  }
0x3: {  	_ = 	snop  }
0x4: {  	_ = 	snop  }
0x5: {  	_ = 	snop  }
0x6: {  	_ = 	snop  }
0x7: {  	_ = 	snop  }
__scs_overlays_trampoline_lowered:
0x8: {  	[smem:$0x3FAE] =	sst s0  }
0x9: {  	[smem:$0x3FAF] =	sst s1  }
0xa: {  	[smem:$0x3FB0] =	sst s2  }
0xb: {  	[smem:$0x3FB1] =	sst s3  }
0xc: {  	[smem:$0x3FB2] =	sst s4  }
0xd: {  	[smem:$0x3FB3] =	sst s5  }
0xe: {  	[smem:$0x3FB4] =	sst s6  }
0xf: {  	[smem:$0x3FB5] =	sst s7  }
0x10: {  	[smem:$0x3FB6] =	sst s8  }
0x11: {  	[smem:$0x3FB7] =	sst s9;
	s0 =	simm.s32 @!p0 $0x0  }
0x12: {  	s1 =	sld [smem:$0x3F9D];
	s0 =	simm.s32 @p0 $0x1  }
0x13: {  	[smem:$0x3FB8] =	sst s0;
	s0 =	simm.s32 @!p1 $0x0  }
0x14: {  	s2 =	sld [smem:$0x3F9C];
	s0 =	simm.s32 @p1 $0x1  }
0x15: {  	[smem:$0x3FB9] =	sst s0;
	s0 =	simm.s32 @!p2 $0x0  }
0x16: {  	s3 =	sld [smem:$0x3FDB];
	s0 =	simm.s32 @p2 $0x1  }
0x17: {  	s4 =	simm.s32 $0x1BF5;
	[smem:$0x3FBB] =	sst s0  }
0x18: {  	s0 =	sld [smem:$0x3F9E];
	_ =	swait.ge [sflag:s4], $0x0  }
0x19: {  	s7 =	sld [smem:$0x3F9F]  }
0x1a: {  	s8 =	sadd.s32 $0xFFFFE003, lr  }
0x1b: {  	s9 =	sadd.s32 $0xFFFFFEF7, lr;
	s5 =	simm.s32 $0xFFFFFFFF;
	p2 =	slt.u32 s8, $0xFFFFF086  }
0x1c: {  	p1 =	slt.u32 s9, $0xF7A;
	s5 =	simm.s32 @!p2 $0x0  }
0x1d: {  	s5 =	simm.s32 @p1 $0x1;
	p0 =	seq.s32 s7, s2  }
0x1e: {  	s7 =	smul.u32 @!p0 $0xF7A, s2;
	p2 =	seq.s32 @!p0 s5, $0x0  }
0x1f: {  	s9 =	smul.u32 $0xF7A, s1;
	s8 =	simm.s32 @!p0 $0x1BF5;
	p2 =	por !p2, p0  }
0x20: {  	[sflag:s8] =	ssyncset.s32 @!p0 $0xFFFFF086;
	s6 =	sadd.s32 @!p0 s3, s7;
	s7 =	simm.s32 @!p0 $0x108  }
0x21: {  	s3 =	sadd.s32 s3, s9;
	s6 =	sadd.s32 @!p0 $0x88, s6;
	s7 =	simm.s32 @p2 $0x1082  }
0x22: {  	[simem:s7], [sflag:s8] =	dma.local @!p0 [hbm:s6], $0xF7A  }
0x23: {  	s9 =	sor.u32 $0xD0000000, s2;
	s6 =	simm.s32 $0x108;
	_ =	swait.ge @!p0 [sflag:s8], $0x0  }
0x24: {  	s3 =	sadd.s32 $0x88, s3;
	s6 =	simm.s32 @!p1 $0x1082;
	[sflag:s4] =	ssyncset.s32 $0xFFFFF086  }
0x25: {  	[simem:s6], [sflag:s4] =	dma.local [hbm:s3], $0xF7A  }
0x26: {  	[smem:$0x3F9F] =	sst s1;
	(tag) =	ssettag s2;
	_ =	strace s9  }
0x27: {  	s1 =	sld [smem:$0x3FAF]  }
0x28: {  	s2 =	sld [smem:$0x3FB0]  }
0x29: {  	s4 =	sld [smem:$0x3FB2]  }
0x2a: {  	p0 =	seq.s32 s5, $0x0;
	s5 =	sld [smem:$0x3FB3]  }
0x2b: {  	s6 =	sld [smem:$0x3FB4]  }
0x2c: {  	s7 =	sld [smem:$0x3FB5]  }
0x2d: {  	s3 =	simm.s32 $0x108;
	s8 =	sld [smem:$0x3FB6]  }
0x2e: {  	s3 =	simm.s32 @!p0 $0x1082;
	s9 =	sld [smem:$0x3FB7]  }
0x2f: {  	lr =	sadd.s32 s0, s3;
	s0 =	sld [smem:$0x3FAE]  }
0x30: {  	s3 =	sld [smem:$0x3FB1]  }
0x31: {  	[smem:$0x3FBA] =	sst s10  }
0x32: {  	s10 =	sld [smem:$0x3FB8];
	_ =	sdelay $0x3  }
0x33: {  	p0 =	seq.s32 s10, $0x1;
	s10 =	sld [smem:$0x3FBA];
	_ =	sdelay $0x3  }
0x34: {  	[smem:$0x3FBA] =	sst s10  }
0x35: {  	s10 =	sld [smem:$0x3FB9];
	_ =	sdelay $0x3  }
0x36: {  	p1 =	seq.s32 s10, $0x1;
	s10 =	sld [smem:$0x3FBA];
	_ =	sdelay $0x3  }
0x37: {  	[smem:$0x3FBA] =	sst s10  }
0x38: {  	s10 =	sld [smem:$0x3FBB]  }
0x39: {  	_ = 	snop;
	(pc) =	sbr.ind lr, $3  }
0x3a: {  	_ = 	snop  }
0x3b: {  	_ = 	snop  }
0x3c: {  	p2 =	seq.s32 s10, $0x1;
	s10 =	sld [smem:$0x3FBA]  }
0x3d: {  	_ =	shalt  }
0x3e: {  	_ =	shalt  }
0x3f: {  	_ =	shalt  }
0x40: {  	_ =	shalt  }
0x41: {  	_ =	shalt  }
0x42: {  	_ =	shalt  }
0x43: {  	_ =	shalt  }
0x44: {  	_ =	shalt  }
0x45: {  	_ =	shalt  }
0x46: {  	_ =	shalt  }
0x47: {  	_ =	shalt  }
0x48: {  	_ =	shalt  }
0x49: {  	_ =	shalt  }
0x4a: {  	_ =	shalt  }
0x4b: {  	_ =	shalt  }
0x4c: {  	_ =	shalt  }
0x4d: {  	_ =	shalt  }
0x4e: {  	_ =	shalt  }
0x4f: {  	_ =	shalt  }
0x50: {  	_ =	shalt  }
0x51: {  	_ =	shalt  }
0x52: {  	_ =	shalt  }
0x53: {  	_ =	shalt  }
0x54: {  	_ =	shalt  }
0x55: {  	_ =	shalt  }
0x56: {  	_ =	shalt  }
0x57: {  	_ =	shalt  }
0x58: {  	_ =	shalt  }
0x59: {  	_ =	shalt  }
0x5a: {  	_ =	shalt  }
0x5b: {  	_ =	shalt  }
0x5c: {  	_ =	shalt  }
0x5d: {  	_ =	shalt  }
0x5e: {  	_ =	shalt  }
0x5f: {  	_ =	shalt  }
0x60: {  	_ =	shalt  }
0x61: {  	_ =	shalt  }
0x62: {  	_ =	shalt  }
0x63: {  	_ =	shalt  }
0x64: {  	_ =	shalt  }
0x65: {  	_ =	shalt  }
0x66: {  	_ =	shalt  }
0x67: {  	_ =	shalt  }
0x68: {  	_ =	shalt  }
0x69: {  	_ =	shalt  }
0x6a: {  	_ =	shalt  }
0x6b: {  	_ =	shalt  }
0x6c: {  	_ =	shalt  }
0x6d: {  	_ =	shalt  }
0x6e: {  	_ =	shalt  }
0x6f: {  	_ =	shalt  }
0x70: {  	_ =	shalt  }
0x71: {  	_ =	shalt  }
0x72: {  	_ =	shalt  }
0x73: {  	_ =	shalt  }
0x74: {  	_ =	shalt  }
0x75: {  	_ =	shalt  }
0x76: {  	_ =	shalt  }
0x77: {  	_ =	shalt  }
0x78: {  	_ =	shalt  }
0x79: {  	_ =	shalt  }
0x7a: {  	_ =	shalt  }
0x7b: {  	_ =	shalt  }
0x7c: {  	_ =	shalt  }
0x7d: {  	_ =	shalt  }
0x7e: {  	_ =	shalt  }
0x7f: {  	_ =	shalt  }
0x80: {  	_ =	shalt  }
0x81: {  	_ =	shalt  }
0x82: {  	_ =	shalt  }
0x83: {  	_ =	shalt  }
0x84: {  	_ =	shalt  }
0x85: {  	_ =	shalt  }
0x86: {  	_ =	shalt  }
0x87: {  	_ =	shalt  }
.Lfunc_end0:
.L_simem_size_0:
called_computation_lowered:
.L_overlay_start_0:
0x88: {  	s2 =	sld [smem:$0x3FD9]  }
0x89: {  	s3 =	sld [smem:$0x3FFE];
	_ =	sdelay $0x1  }
0x8a: {  	s1 =	srdreg.scid  }
0x8b: {  	s0 =	sand.u32 $0x1, s1  }
0x8c: {  	s14 =	sshll.u32 s0, $0xA;
	s2 =	sadd.s32 s3, s2  }
0x8d: {  	s2 =	sadd.s32 s2, s14  }
0x8e: {  	[smem:$0x3FC6] =	sst s2  }
0x8f: {  	_ = 	snop  }
0x90: {  	s2 =	sld [smem:$0x3FD0];
	_ =	sdelay $0x2  }
0x91: {  	s4 =	simm.s32 $0xA;
	s5 =	simm.s32 $0x10;
	s15 =	sld [smem:$0x3FC8]  }
0x92: {  	[smem:s5], [sflag:s4] =	dma.local [hbm:s2], $0x1  }
0x93: {  	_ =	swait.eq [sflag:s4], $0x1  }
0x94: {  	[sflag:s4] =	ssyncset.done $0x0  }
0x95: {  	[sflag:s4] =	ssyncadd.s32 $0xFFFFFFFF  }
0x96: {  	s16 =	sld [smem:$0x10];
	(tm) =	ssettm $0x1  }
0x97: {  	s17 =	sld [smem:$0x3FFB];
	_ =	sdelay $0x3  }
0x98: {  	_ =	strace s17  }
0x99: {  	s4 =	sld [smem:$0x3FFC];
	_ =	sdelay $0x3  }
0x9a: {  	_ =	strace s4  }
0x9b: {  	s4 =	sld [smem:$0x3FFD];
	_ =	sdelay $0x3  }
0x9c: {  	_ =	strace s4  }
0x9d: {  	_ =	strace $0x8FFFFFFF  }
0x9e: {  	s18 =	sld [smem:$0x3FDB];
	_ =	sdelay $0x1  }
0x9f: {  	s19 =	simm.s32 $_scs_section_size  }
0xa0: {  	s6 =	simm.s32 $_size__tile_overlayer_lowered;
	s7 =	simm.s32 $_tile_overlayer_lowered  }
0xa1: {  	s22 =	simm.s32 $0x1BFF;
	s21 =	sshll.u32 s7, $0x1;
	s4 =	sadd.s32 s19, s18  }
0xa2: {  	s8 =	simm.s32 $0x0;
	s20 =	sshll.u32 s6, $0x1;
	s6 =	sadd.s32 s21, s4  }
0xa3: {  	[timem:s8], [sflag:s22] =	dma.local [hbm:s6], s20  }
0xa4: {  	_ =	swait.ge [sflag:s22], s20  }
0xa5: {  	s5 =	ssub.s32 $0x0, s20;
	[sflag:s22] =	ssyncset.done $0x0  }
0xa6: {  	[sflag:s22] =	ssyncadd.s32 s5;
	_ =	sdelay $0x1  }
0xa7: {  	s23 =	simm.s32 $0x1B8B  }
0xa8: {  	_ =	swait.ge [sflag:s23], $0x1  }
0xa9: {  	[sflag:s23] =	ssyncset.done $0x0  }
0xaa: {  	s25 =	simm.s32 $0x1B8E;
	s24 =	sld [smem:$0x3FFE];
	[sflag:s23] =	ssyncadd.s32 $0xFFFFFFFF  }
0xab: {  	s26 =	simm.s32 $execute0_lowered;
	[smem:$0x3FD2] =	sst s25  }
0xac: {  	s6 =	sshll.u32 s26, $0x1;
	_ =	strace $0x80000046;
	[dreg:$0x1] =	wrdreg $0xFFFFFFFF  }
0xad: {  	s28 =	simm.s32 $_size_execute0_lowered;
	s4 =	sadd.s32 s4, s6;
	[dreg:$0x0] =	wrdreg $0x0  }
0xae: {  	s6 =	sshll.u32 s28, $0x1;
	[dreg:$0x2] =	wrdreg s4  }
0xaf: {  	[dreg:$0x3] =	wrdreg s6  }
0xb0: {  	[dreg:$0x4] =	wrdreg $0xC0  }
0xb1: {  	_ =	task [dreg:s8], $0x5FFFF  }
0xb2: {  	[dreg:$0x1] =	wrdreg $0xFFFFFFFF  }
0xb3: {  	[dreg:$0x0] =	wrdreg $0x60  }
0xb4: {  	[dreg:$0x2] =	wrdreg s15  }
0xb5: {  	[dreg:$0x3] =	wrdreg s24  }
0xb6: {  	[dreg:$0x4] =	wrdreg s16  }
0xb7: {  	[dreg:$0x5] =	wrdreg $0x9  }
0xb8: {  	_ =	task.clear_ibuf [dreg:s8], $0x6FFFF;
	_ =	strace $0x90000046  }
0xb9: {  	s29 =	simm.s32 $0x9;
	_ =	strace $0x80000048  }
0xba: {  	_ =	swait.ge [sflag:s29], $0x1  }
0xbb: {  	[sflag:s29] =	ssyncadd.s32 $0xFFFFFFFF  }
0xbc: {  	_ =	strace $0x90000048  }
0xbd: {  	_ =	sfence  }
0xbe: {  	s30 =	sld [smem:$0x0];
	_ =	sdelay $0x2  }
0xbf: {  	s31 =	sshll.u32 s1, $0xD;
	s1 =	sshrl.u32 s1, $0x2  }
0xc0: {  	s3 =	sand.u32 $0x4000, s31;
	s1 =	sadd.s32 s1, s30  }
0xc1: {  	s0 =	sor.u32 s3, s0;
	s1 =	sshll.u32 s1, $0x11  }
0xc2: {  	s0 =	sor.u32 s1, s0  }
0xc3: {  	s0 =	sadd.s32 $0x8F2B, s0  }
0xc4: {  	[sflag:s0] =	ssyncadd.remote.s32 $0x1  }
0xc5: {  	_ =	sfence.sel $0xFFFF  }
0xc6: {  	[dreg:$0x0] =	wrdreg $0xFFFFFFFF;
	(pc) =	sbr.abs _section_cstart, $3  }
0xc7: {  	[dreg:$0x1] =	wrdreg $0xFFFFFFFF  }
0xc8: {  	_ =	task.clear_ibuf [dreg:s8], $0x2FFFF;
	_ =	strace $0x9FFFFFFF  }
0xc9: {  	(tm) =	ssettm $0x7FFFFFFF  }
tec
execute0_lowered:
.L_overlay_start_1:
0x0: {  	(tag) =	ssettag $0x1  }
0x1: {  	s1 =	rddreg [dreg:$0x0]  }
0x2: {  	s0 =	rddreg [dreg:$0x1]  }
0x3: {  	s2 =	rddreg [dreg:$0x2];
	s4 =	srdreg.scid;
	s3 =	simm.s32 $0x0  }
0x4: {  	s5 =	stileid.u32;
	s14 =	simm.s32 $0x1;
	s4 =	sand.u32 $0x1, s4  }
0x5: {  	[smem:$0x7FF] =	sst s3;
	s5 =	sshll.u32 s5, $0x7;
	s6 =	sshll.u32 s4, $0x6  }
0x6: {  	s0 =	sadd.s32 $0xA00, s0;
	s4 =	ssub.s32 $0x2, s4;
	s5 =	sor.u32 s6, s5  }
0x7: {  	_ =	strace $0x80000047;
	s7 =	sshrl.u32 s4, $0x1;
	s6 =	smul.u32 $0x180, s5  }
0x8: {  	s8 =	sadd.s32 s0, s5;
	s9 =	sor.u32 $0x10, s5;
	s24 =	sor.u32 $0x20, s5  }
0x9: {  	s5 =	sor.u32 $0x30, s5;
	[dreg:$0x4] =	wrdreg s8;
	s23 =	sadd.s32 s0, s9  }
0xa: {  	s7 =	ssub.s32 s4, s7;
	s28 =	sadd.s32 s0, s24;
	[dreg:$0x6] =	wrdreg s23  }
0xb: {  	s22 =	smul.u32 $0x180, s9;
	s0 =	sadd.s32 s0, s5;
	[dreg:$0x8] =	wrdreg s28  }
0xc: {  	s26 =	smul.u32 $0x180, s24;
	s6 =	sadd.s32 s2, s6;
	[dreg:$0xa] =	wrdreg s0  }
0xd: {  	s30 =	smul.u32 $0x180, s5;
	[dreg:$0x5] =	wrdreg s6;
	s25 =	sadd.s32 s2, s22  }
0xe: {  	v2 =	vlaneseq.u32;
	s4 =	sadd.s32 $0x100, s1;
	s29 =	sadd.s32 s2, s26;
	[dreg:$0x7] =	wrdreg s25  }
0xf: {  	vm0 =	vmmov $0xffff;
	vm1 =	vmmov $0xff;
	v1 =	vshrl.u32 v2, $0x3;
	s5 =	smax.u32 s7, $0x1;
	s31 =	sadd.s32 s2, s30;
	[dreg:$0x9] =	wrdreg s29  }
0x10: {  	v0 =	vand.u32 $0x7, v2;
	v2 =	vor.u32 $0x8, v2;
	v1 =	vmul.u32 $0x8, v1;
	s6 =	simm.s32 $0x2;
	[dreg:$0xb] =	wrdreg s31;
	s25 =	simm.s32 $0x80  }
.LBB2_1:
0x11: {  	s15 =	rddreg [dreg:$0x4]  }
0x12: {  	[tilespmem:s3], [sflag:$0x2] =	stream.linear.gather [hbm4b:s15+s3], $0x80, $0x38;
	[tilespmem:$0xC080] =	vst v63  }
0x13: {  	_ =	swait.ge [sflag:s6], $0x80  }
0x14: {  	[sflag:s6] =	ssyncset.done $0x0  }
0x15: {  	[sflag:s6] =	ssyncadd.s32 $0xFFFFFF80  }
0x16: {  	v3 =	vld [tilespmem:$0x0];
	_ =	sdelay $0x4  }
0x17: {  	v4 =	vshrl.u32 v3, $0x3  }
0x18: {  	v4 =	vmul.u32 $0x18, v4  }
0x19: {  	v3 =	vand.u32 $0x7, v3  }
0x1a: {  	v3 =	vor.u32 v3, v4  }
0x1b: {  	v4 =	vperm.xlane v3, v0;
	_ =	sdelay $0x1  }
0x1c: {  	v4 =	vadd.s32 v1, v4;
	_ =	sdelay $0x1  }
0x1d: {  	v3 =	vperm.xlane v3, v2;
	_ =	sdelay $0x1  }
0x1e: {  	v3 =	vadd.s32 v1, v3  }
0x1f: {  	[tilespmem:s25], [sflag:$0x1] =	stream.indirect_vreg.gather [hbm4b:s1+s3], $0x80, v4, vm0, $0xb8;
	[tilespmem:$0xC080] =	vst v63  }
0x20: {  	s0 =	simm.s32 $0x880  }
0x21: {  	[tilespmem:s0], [sflag:$0x1] =	stream.indirect_vreg.gather [hbm4b:s4+s3], $0x80, v4, vm1, $0xb8;
	[tilespmem:$0xC080] =	vst v63  }
0x22: {  	s7 =	simm.s32 $0xC80  }
0x23: {  	[tilespmem:s7], [sflag:$0x1] =	stream.indirect_vreg.gather [hbm4b:s1+s3], $0x80, v3, vm0, $0xb8;
	[tilespmem:$0xC080] =	vst v63  }
0x24: {  	s8 =	simm.s32 $0x1480  }
0x25: {  	[tilespmem:s8], [sflag:$0x1] =	stream.indirect_vreg.gather [hbm4b:s4+s3], $0x80, v3, vm1, $0xb8;
	[tilespmem:$0xC080] =	vst v63  }
0x26: {  	v3 =	vld [tilespmem:$0x10];
	_ =	sdelay $0x4  }
0x27: {  	v33 =	vshrl.u32 v3, $0x3  }
0x28: {  	v4 =	vmul.u32 $0x18, v33  }
0x29: {  	v3 =	vand.u32 $0x7, v3  }
0x2a: {  	v3 =	vor.u32 v3, v4  }
0x2b: {  	v4 =	vperm.xlane v3, v0;
	_ =	sdelay $0x1  }
0x2c: {  	v4 =	vadd.s32 v1, v4;
	_ =	sdelay $0x1  }
0x2d: {  	v3 =	vperm.xlane v3, v2;
	_ =	sdelay $0x1  }
0x2e: {  	s9 =	simm.s32 $0x1880;
	v3 =	vadd.s32 v1, v3  }
0x2f: {  	[tilespmem:s9], [sflag:$0x1] =	stream.indirect_vreg.gather [hbm4b:s1+s3], $0x80, v4, vm0, $0xb8;
	[tilespmem:$0xC080] =	vst v63  }
0x30: {  	s10 =	simm.s32 $0x2080  }
0x31: {  	[tilespmem:s10], [sflag:$0x1] =	stream.indirect_vreg.gather [hbm4b:s4+s3], $0x80, v4, vm1, $0xb8;
	[tilespmem:$0xC080] =	vst v63  }
0x32: {  	s11 =	simm.s32 $0x2480  }
0x33: {  	[tilespmem:s11], [sflag:$0x1] =	stream.indirect_vreg.gather [hbm4b:s1+s3], $0x80, v3, vm0, $0xb8;
	[tilespmem:$0xC080] =	vst v63  }
0x34: {  	s12 =	simm.s32 $0x2C80  }
0x35: {  	[tilespmem:s12], [sflag:$0x1] =	stream.indirect_vreg.gather [hbm4b:s4+s3], $0x80, v3, vm1, $0xb8;
	[tilespmem:$0xC080] =	vst v63  }
0x36: {  	v3 =	vld [tilespmem:$0x20];
	_ =	sdelay $0x4  }
0x37: {  	v34 =	vshrl.u32 v3, $0x3  }
0x38: {  	v4 =	vmul.u32 $0x18, v34  }
0x39: {  	v3 =	vand.u32 $0x7, v3  }
0x3a: {  	v3 =	vor.u32 v3, v4  }
0x3b: {  	v4 =	vperm.xlane v3, v0;
	_ =	sdelay $0x1  }
0x3c: {  	v4 =	vadd.s32 v1, v4;
	_ =	sdelay $0x1  }
0x3d: {  	v3 =	vperm.xlane v3, v2;
	_ =	sdelay $0x1  }
0x3e: {  	s13 =	simm.s32 $0x3080;
	v3 =	vadd.s32 v1, v3  }
0x3f: {  	[tilespmem:s13], [sflag:$0x1] =	stream.indirect_vreg.gather [hbm4b:s1+s3], $0x80, v4, vm0, $0xb8;
	[tilespmem:$0xC080] =	vst v63  }
0x40: {  	s15 =	simm.s32 $0x3880  }
0x41: {  	[tilespmem:s15], [sflag:$0x1] =	stream.indirect_vreg.gather [hbm4b:s4+s3], $0x80, v4, vm1, $0xb8;
	[tilespmem:$0xC080] =	vst v63  }
0x42: {  	s16 =	simm.s32 $0x3C80  }
0x43: {  	[tilespmem:s16], [sflag:$0x1] =	stream.indirect_vreg.gather [hbm4b:s1+s3], $0x80, v3, vm0, $0xb8;
	[tilespmem:$0xC080] =	vst v63  }
0x44: {  	s17 =	simm.s32 $0x4480  }
0x45: {  	[tilespmem:s17], [sflag:$0x1] =	stream.indirect_vreg.gather [hbm4b:s4+s3], $0x80, v3, vm1, $0xb8;
	[tilespmem:$0xC080] =	vst v63  }
0x46: {  	v3 =	vld [tilespmem:$0x30];
	_ =	sdelay $0x4  }
0x47: {  	v35 =	vshrl.u32 v3, $0x3  }
0x48: {  	v4 =	vmul.u32 $0x18, v35  }
0x49: {  	v3 =	vand.u32 $0x7, v3  }
0x4a: {  	v3 =	vor.u32 v3, v4  }
0x4b: {  	v4 =	vperm.xlane v3, v0;
	_ =	sdelay $0x1  }
0x4c: {  	v4 =	vadd.s32 v1, v4;
	_ =	sdelay $0x1  }
0x4d: {  	v3 =	vperm.xlane v3, v2;
	_ =	sdelay $0x1  }
0x4e: {  	s18 =	simm.s32 $0x4880;
	v3 =	vadd.s32 v1, v3  }
0x4f: {  	[tilespmem:s18], [sflag:$0x1] =	stream.indirect_vreg.gather [hbm4b:s1+s3], $0x80, v4, vm0, $0xb8;
	[tilespmem:$0xC080] =	vst v63  }
0x50: {  	s19 =	simm.s32 $0x5080  }
0x51: {  	[tilespmem:s19], [sflag:$0x1] =	stream.indirect_vreg.gather [hbm4b:s4+s3], $0x80, v4, vm1, $0xb8;
	[tilespmem:$0xC080] =	vst v63  }
0x52: {  	s20 =	simm.s32 $0x5480  }
0x53: {  	[tilespmem:s20], [sflag:$0x1] =	stream.indirect_vreg.gather [hbm4b:s1+s3], $0x80, v3, vm0, $0xb8;
	[tilespmem:$0xC080] =	vst v63  }
0x54: {  	s21 =	simm.s32 $0x5C80  }
0x55: {  	[tilespmem:s21], [sflag:$0x1] =	stream.indirect_vreg.gather [hbm4b:s4+s3], $0x80, v3, vm1, $0xb8;
	[tilespmem:$0xC080] =	vst v63  }
0x56: {  	v3 =	vld [tilespmem:$0x40];
	_ =	sdelay $0x4  }
0x57: {  	v36 =	vshrl.u32 v3, $0x3  }
0x58: {  	v4 =	vmul.u32 $0x18, v36  }
0x59: {  	v3 =	vand.u32 $0x7, v3  }
0x5a: {  	v3 =	vor.u32 v3, v4  }
0x5b: {  	v4 =	vperm.xlane v3, v0;
	_ =	sdelay $0x1  }
0x5c: {  	v4 =	vadd.s32 v1, v4;
	_ =	sdelay $0x1  }
0x5d: {  	v3 =	vperm.xlane v3, v2;
	_ =	sdelay $0x1  }
0x5e: {  	s22 =	simm.s32 $0x6080;
	v3 =	vadd.s32 v1, v3  }
0x5f: {  	[tilespmem:s22], [sflag:$0x1] =	stream.indirect_vreg.gather [hbm4b:s1+s3], $0x80, v4, vm0, $0xb8;
	[tilespmem:$0xC080] =	vst v63  }
0x60: {  	s23 =	simm.s32 $0x6880  }
0x61: {  	[tilespmem:s23], [sflag:$0x1] =	stream.indirect_vreg.gather [hbm4b:s4+s3], $0x80, v4, vm1, $0xb8;
	[tilespmem:$0xC080] =	vst v63  }
0x62: {  	s24 =	simm.s32 $0x6C80  }
0x63: {  	[tilespmem:s24], [sflag:$0x1] =	stream.indirect_vreg.gather [hbm4b:s1+s3], $0x80, v3, vm0, $0xb8;
	[tilespmem:$0xC080] =	vst v63  }
0x64: {  	s26 =	simm.s32 $0x7480  }
0x65: {  	[tilespmem:s26], [sflag:$0x1] =	stream.indirect_vreg.gather [hbm4b:s4+s3], $0x80, v3, vm1, $0xb8;
	[tilespmem:$0xC080] =	vst v63  }
0x66: {  	v3 =	vld [tilespmem:$0x50];
	_ =	sdelay $0x4  }
0x67: {  	v37 =	vshrl.u32 v3, $0x3  }
0x68: {  	v4 =	vmul.u32 $0x18, v37  }
0x69: {  	v3 =	vand.u32 $0x7, v3  }
0x6a: {  	v3 =	vor.u32 v3, v4  }
0x6b: {  	v4 =	vperm.xlane v3, v0;
	_ =	sdelay $0x1  }
0x6c: {  	v4 =	vadd.s32 v1, v4;
	_ =	sdelay $0x1  }
0x6d: {  	v3 =	vperm.xlane v3, v2;
	_ =	sdelay $0x1  }
0x6e: {  	s28 =	simm.s32 $0x7880;
	v3 =	vadd.s32 v1, v3  }
0x6f: {  	[tilespmem:s28], [sflag:$0x1] =	stream.indirect_vreg.gather [hbm4b:s1+s3], $0x80, v4, vm0, $0xb8;
	[tilespmem:$0xC080] =	vst v63  }
0x70: {  	s29 =	simm.s32 $0x8080  }
0x71: {  	[tilespmem:s29], [sflag:$0x1] =	stream.indirect_vreg.gather [hbm4b:s4+s3], $0x80, v4, vm1, $0xb8;
	[tilespmem:$0xC080] =	vst v63  }
0x72: {  	s30 =	simm.s32 $0x8480  }
0x73: {  	[tilespmem:s30], [sflag:$0x1] =	stream.indirect_vreg.gather [hbm4b:s1+s3], $0x80, v3, vm0, $0xb8;
	[tilespmem:$0xC080] =	vst v63  }
0x74: {  	s31 =	simm.s32 $0x8C80  }
0x75: {  	[tilespmem:s31], [sflag:$0x1] =	stream.indirect_vreg.gather [hbm4b:s4+s3], $0x80, v3, vm1, $0xb8;
	[tilespmem:$0xC080] =	vst v63  }
0x76: {  	v3 =	vld [tilespmem:$0x60];
	_ =	sdelay $0x4  }
0x77: {  	v38 =	vshrl.u32 v3, $0x3  }
0x78: {  	v4 =	vmul.u32 $0x18, v38  }
0x79: {  	v3 =	vand.u32 $0x7, v3  }
0x7a: {  	v3 =	vor.u32 v3, v4  }
0x7b: {  	v4 =	vperm.xlane v3, v0;
	_ =	sdelay $0x1  }
0x7c: {  	v4 =	vadd.s32 v1, v4;
	_ =	sdelay $0x1  }
0x7d: {  	v3 =	vperm.xlane v3, v2;
	_ =	sdelay $0x1  }
0x7e: {  	s0 =	simm.s32 $0x9080;
	v3 =	vadd.s32 v1, v3  }
0x7f: {  	[tilespmem:s0], [sflag:$0x1] =	stream.indirect_vreg.gather [hbm4b:s1+s3], $0x80, v4, vm0, $0xb8;
	[tilespmem:$0xC080] =	vst v63  }
0x80: {  	s13 =	simm.s32 $0x9880  }
0x81: {  	[tilespmem:s13], [sflag:$0x1] =	stream.indirect_vreg.gather [hbm4b:s4+s3], $0x80, v4, vm1, $0xb8;
	[tilespmem:$0xC080] =	vst v63  }
0x82: {  	s16 =	simm.s32 $0x9C80  }
0x83: {  	[tilespmem:s16], [sflag:$0x1] =	stream.indirect_vreg.gather [hbm4b:s1+s3], $0x80, v3, vm0, $0xb8;
	[tilespmem:$0xC080] =	vst v63  }
0x84: {  	s17 =	simm.s32 $0xA480  }
0x85: {  	[tilespmem:s17], [sflag:$0x1] =	stream.indirect_vreg.gather [hbm4b:s4+s3], $0x80, v3, vm1, $0xb8;
	[tilespmem:$0xC080] =	vst v63  }
0x86: {  	v3 =	vld [tilespmem:$0x70];
	_ =	sdelay $0x4  }
0x87: {  	v39 =	vshrl.u32 v3, $0x3  }
0x88: {  	v4 =	vmul.u32 $0x18, v39  }
0x89: {  	v3 =	vand.u32 $0x7, v3  }
0x8a: {  	v3 =	vor.u32 v3, v4  }
0x8b: {  	v4 =	vperm.xlane v3, v0;
	_ =	sdelay $0x1  }
0x8c: {  	v4 =	vadd.s32 v1, v4;
	_ =	sdelay $0x1  }
0x8d: {  	v3 =	vperm.xlane v3, v2;
	_ =	sdelay $0x1  }
0x8e: {  	s18 =	simm.s32 $0xA880;
	v3 =	vadd.s32 v1, v3  }
0x8f: {  	[tilespmem:s18], [sflag:$0x1] =	stream.indirect_vreg.gather [hbm4b:s1+s3], $0x80, v4, vm0, $0xb8;
	[tilespmem:$0xC080] =	vst v63  }
0x90: {  	s19 =	simm.s32 $0xB080  }
0x91: {  	[tilespmem:s19], [sflag:$0x1] =	stream.indirect_vreg.gather [hbm4b:s4+s3], $0x80, v4, vm1, $0xb8;
	[tilespmem:$0xC080] =	vst v63  }
0x92: {  	s20 =	simm.s32 $0xB480  }
0x93: {  	[tilespmem:s20], [sflag:$0x1] =	stream.indirect_vreg.gather [hbm4b:s1+s3], $0x80, v3, vm0, $0xb8;
	[tilespmem:$0xC080] =	vst v63  }
0x94: {  	s21 =	simm.s32 $0xBC80  }
0x95: {  	[tilespmem:s21], [sflag:$0x1] =	stream.indirect_vreg.gather [hbm4b:s4+s3], $0x80, v3, vm1, $0xb8;
	[tilespmem:$0xC080] =	vst v63  }
0x96: {  	_ =	swait.ge [sflag:s14], $0xC000  }
0x97: {  	[sflag:s14] =	ssyncset.done $0x0  }
0x98: {  	s24 =	rddreg [dreg:$0x5];
	[sflag:s14] =	ssyncadd.s32 $0xFFFF4000  }
0x99: {  	[hbm4b:s24+s3] =	stream.linear.scatter [tilespmem:s25], [sflag:$0x2], $0xC000, $0x38;
	[tilespmem:$0xC080] =	vst v63  }
0x9a: {  	_ =	swait.ge [sflag:s6], $0xC000  }
0x9b: {  	[sflag:s6] =	ssyncset.done $0x0  }
0x9c: {  	s26 =	rddreg [dreg:$0x6];
	[sflag:s6] =	ssyncadd.s32 $0xFFFF4000  }
0x9d: {  	[tilespmem:s3], [sflag:$0x2] =	stream.linear.gather [hbm4b:s26+s3], $0x80, $0x38;
	[tilespmem:$0xC080] =	vst v63  }
0x9e: {  	_ =	swait.ge [sflag:s6], $0x80  }
0x9f: {  	[sflag:s6] =	ssyncset.done $0x0  }
0xa0: {  	[sflag:s6] =	ssyncadd.s32 $0xFFFFFF80  }
0xa1: {  	v3 =	vld [tilespmem:$0x0];
	_ =	sdelay $0x4  }
0xa2: {  	v40 =	vshrl.u32 v3, $0x3  }
0xa3: {  	v4 =	vmul.u32 $0x18, v40  }
0xa4: {  	v3 =	vand.u32 $0x7, v3  }
0xa5: {  	v3 =	vor.u32 v3, v4  }
0xa6: {  	v4 =	vperm.xlane v3, v0;
	_ =	sdelay $0x1  }
0xa7: {  	v4 =	vadd.s32 v1, v4;
	_ =	sdelay $0x1  }
0xa8: {  	v3 =	vperm.xlane v3, v2;
	_ =	sdelay $0x1  }
0xa9: {  	v3 =	vadd.s32 v1, v3  }
0xaa: {  	[tilespmem:s25], [sflag:$0x1] =	stream.indirect_vreg.gather [hbm4b:s1+s3], $0x80, v4, vm0, $0xb8;
	[tilespmem:$0xC080] =	vst v63  }
0xab: {  	s2 =	simm.s32 $0x880  }
0xac: {  	[tilespmem:s2], [sflag:$0x1] =	stream.indirect_vreg.gather [hbm4b:s4+s3], $0x80, v4, vm1, $0xb8;
	[tilespmem:$0xC080] =	vst v63  }
0xad: {  	s7 =	simm.s32 $0xC80  }
0xae: {  	[tilespmem:s7], [sflag:$0x1] =	stream.indirect_vreg.gather [hbm4b:s1+s3], $0x80, v3, vm0, $0xb8;
	[tilespmem:$0xC080] =	vst v63  }
0xaf: {  	s16 =	simm.s32 $0x1480  }
0xb0: {  	[tilespmem:s16], [sflag:$0x1] =	stream.indirect_vreg.gather [hbm4b:s4+s3], $0x80, v3, vm1, $0xb8;
	[tilespmem:$0xC080] =	vst v63  }
0xb1: {  	v3 =	vld [tilespmem:$0x10];
	_ =	sdelay $0x4  }
0xb2: {  	v41 =	vshrl.u32 v3, $0x3  }
0xb3: {  	v4 =	vmul.u32 $0x18, v41  }
0xb4: {  	v3 =	vand.u32 $0x7, v3  }
0xb5: {  	v3 =	vor.u32 v3, v4  }
0xb6: {  	v4 =	vperm.xlane v3, v0;
	_ =	sdelay $0x1  }
0xb7: {  	v4 =	vadd.s32 v1, v4;
	_ =	sdelay $0x1  }
0xb8: {  	v3 =	vperm.xlane v3, v2;
	_ =	sdelay $0x1  }
0xb9: {  	s8 =	simm.s32 $0x1880;
	v3 =	vadd.s32 v1, v3  }
0xba: {  	[tilespmem:s8], [sflag:$0x1] =	stream.indirect_vreg.gather [hbm4b:s1+s3], $0x80, v4, vm0, $0xb8;
	[tilespmem:$0xC080] =	vst v63  }
0xbb: {  	s9 =	simm.s32 $0x2080  }
0xbc: {  	[tilespmem:s9], [sflag:$0x1] =	stream.indirect_vreg.gather [hbm4b:s4+s3], $0x80, v4, vm1, $0xb8;
	[tilespmem:$0xC080] =	vst v63  }
0xbd: {  	s10 =	simm.s32 $0x2480  }
0xbe: {  	[tilespmem:s10], [sflag:$0x1] =	stream.indirect_vreg.gather [hbm4b:s1+s3], $0x80, v3, vm0, $0xb8;
	[tilespmem:$0xC080] =	vst v63  }
0xbf: {  	s12 =	simm.s32 $0x2C80  }
0xc0: {  	[tilespmem:s12], [sflag:$0x1] =	stream.indirect_vreg.gather [hbm4b:s4+s3], $0x80, v3, vm1, $0xb8;
	[tilespmem:$0xC080] =	vst v63  }
0xc1: {  	v3 =	vld [tilespmem:$0x20];
	_ =	sdelay $0x4  }
0xc2: {  	v42 =	vshrl.u32 v3, $0x3  }
0xc3: {  	v4 =	vmul.u32 $0x18, v42  }
0xc4: {  	v3 =	vand.u32 $0x7, v3  }
0xc5: {  	v3 =	vor.u32 v3, v4  }
0xc6: {  	v4 =	vperm.xlane v3, v0;
	_ =	sdelay $0x1  }
0xc7: {  	v4 =	vadd.s32 v1, v4;
	_ =	sdelay $0x1  }
0xc8: {  	v3 =	vperm.xlane v3, v2;
	_ =	sdelay $0x1  }
0xc9: {  	s11 =	simm.s32 $0x3080;
	v3 =	vadd.s32 v1, v3  }
0xca: {  	[tilespmem:s11], [sflag:$0x1] =	stream.indirect_vreg.gather [hbm4b:s1+s3], $0x80, v4, vm0, $0xb8;
	[tilespmem:$0xC080] =	vst v63  }
0xcb: {  	s24 =	simm.s32 $0x3880  }
0xcc: {  	[tilespmem:s24], [sflag:$0x1] =	stream.indirect_vreg.gather [hbm4b:s4+s3], $0x80, v4, vm1, $0xb8;
	[tilespmem:$0xC080] =	vst v63  }
0xcd: {  	s12 =	simm.s32 $0x3C80  }
0xce: {  	[tilespmem:s12], [sflag:$0x1] =	stream.indirect_vreg.gather [hbm4b:s1+s3], $0x80, v3, vm0, $0xb8;
	[tilespmem:$0xC080] =	vst v63  }
0xcf: {  	s13 =	simm.s32 $0x4480  }
0xd0: {  	[tilespmem:s13], [sflag:$0x1] =	stream.indirect_vreg.gather [hbm4b:s4+s3], $0x80, v3, vm1, $0xb8;
	[tilespmem:$0xC080] =	vst v63  }
0xd1: {  	v3 =	vld [tilespmem:$0x30];
	_ =	sdelay $0x4  }
0xd2: {  	v43 =	vshrl.u32 v3, $0x3  }
0xd3: {  	v4 =	vmul.u32 $0x18, v43  }
0xd4: {  	v3 =	vand.u32 $0x7, v3  }
0xd5: {  	v3 =	vor.u32 v3, v4  }
0xd6: {  	v4 =	vperm.xlane v3, v0;
	_ =	sdelay $0x1  }
0xd7: {  	v4 =	vadd.s32 v1, v4;
	_ =	sdelay $0x1  }
0xd8: {  	v3 =	vperm.xlane v3, v2;
	_ =	sdelay $0x1  }
0xd9: {  	s17 =	simm.s32 $0x4880;
	v3 =	vadd.s32 v1, v3  }
0xda: {  	[tilespmem:s17], [sflag:$0x1] =	stream.indirect_vreg.gather [hbm4b:s1+s3], $0x80, v4, vm0, $0xb8;
	[tilespmem:$0xC080] =	vst v63  }
0xdb: {  	s18 =	simm.s32 $0x5080  }
0xdc: {  	[tilespmem:s18], [sflag:$0x1] =	stream.indirect_vreg.gather [hbm4b:s4+s3], $0x80, v4, vm1, $0xb8;
	[tilespmem:$0xC080] =	vst v63  }
0xdd: {  	s19 =	simm.s32 $0x5480  }
0xde: {  	[tilespmem:s19], [sflag:$0x1] =	stream.indirect_vreg.gather [hbm4b:s1+s3], $0x80, v3, vm0, $0xb8;
	[tilespmem:$0xC080] =	vst v63  }
0xdf: {  	s20 =	simm.s32 $0x5C80  }
0xe0: {  	[tilespmem:s20], [sflag:$0x1] =	stream.indirect_vreg.gather [hbm4b:s4+s3], $0x80, v3, vm1, $0xb8;
	[tilespmem:$0xC080] =	vst v63  }
0xe1: {  	v3 =	vld [tilespmem:$0x40];
	_ =	sdelay $0x4  }
0xe2: {  	v44 =	vshrl.u32 v3, $0x3  }
0xe3: {  	v4 =	vmul.u32 $0x18, v44  }
0xe4: {  	v3 =	vand.u32 $0x7, v3  }
0xe5: {  	v3 =	vor.u32 v3, v4  }
0xe6: {  	v4 =	vperm.xlane v3, v0;
	_ =	sdelay $0x1  }
0xe7: {  	v4 =	vadd.s32 v1, v4;
	_ =	sdelay $0x1  }
0xe8: {  	v3 =	vperm.xlane v3, v2;
	_ =	sdelay $0x1  }
0xe9: {  	s0 =	simm.s32 $0x6080;
	v3 =	vadd.s32 v1, v3  }
0xea: {  	[tilespmem:s0], [sflag:$0x1] =	stream.indirect_vreg.gather [hbm4b:s1+s3], $0x80, v4, vm0, $0xb8;
	[tilespmem:$0xC080] =	vst v63  }
0xeb: {  	s2 =	simm.s32 $0x6880  }
0xec: {  	[tilespmem:s2], [sflag:$0x1] =	stream.indirect_vreg.gather [hbm4b:s4+s3], $0x80, v4, vm1, $0xb8;
	[tilespmem:$0xC080] =	vst v63  }
0xed: {  	s7 =	simm.s32 $0x6C80  }
0xee: {  	[tilespmem:s7], [sflag:$0x1] =	stream.indirect_vreg.gather [hbm4b:s1+s3], $0x80, v3, vm0, $0xb8;
	[tilespmem:$0xC080] =	vst v63  }
0xef: {  	s11 =	simm.s32 $0x7480  }
0xf0: {  	[tilespmem:s11], [sflag:$0x1] =	stream.indirect_vreg.gather [hbm4b:s4+s3], $0x80, v3, vm1, $0xb8;
	[tilespmem:$0xC080] =	vst v63  }
0xf1: {  	v3 =	vld [tilespmem:$0x50];
	_ =	sdelay $0x4  }
0xf2: {  	v45 =	vshrl.u32 v3, $0x3  }
0xf3: {  	v4 =	vmul.u32 $0x18, v45  }
0xf4: {  	v3 =	vand.u32 $0x7, v3  }
0xf5: {  	v3 =	vor.u32 v3, v4  }
0xf6: {  	v4 =	vperm.xlane v3, v0;
	_ =	sdelay $0x1  }
0xf7: {  	v4 =	vadd.s32 v1, v4;
	_ =	sdelay $0x1  }
0xf8: {  	v3 =	vperm.xlane v3, v2;
	_ =	sdelay $0x1  }
0xf9: {  	s8 =	simm.s32 $0x7880;
	v3 =	vadd.s32 v1, v3  }
0xfa: {  	[tilespmem:s8], [sflag:$0x1] =	stream.indirect_vreg.gather [hbm4b:s1+s3], $0x80, v4, vm0, $0xb8;
	[tilespmem:$0xC080] =	vst v63  }
0xfb: {  	s9 =	simm.s32 $0x8080  }
0xfc: {  	[tilespmem:s9], [sflag:$0x1] =	stream.indirect_vreg.gather [hbm4b:s4+s3], $0x80, v4, vm1, $0xb8;
	[tilespmem:$0xC080] =	vst v63  }
0xfd: {  	s10 =	simm.s32 $0x8480  }
0xfe: {  	[tilespmem:s10], [sflag:$0x1] =	stream.indirect_vreg.gather [hbm4b:s1+s3], $0x80, v3, vm0, $0xb8;
	[tilespmem:$0xC080] =	vst v63  }
0xff: {  	s23 =	simm.s32 $0x8C80  }
0x100: {  	[tilespmem:s23], [sflag:$0x1] =	stream.indirect_vreg.gather [hbm4b:s4+s3], $0x80, v3, vm1, $0xb8;
	[tilespmem:$0xC080] =	vst v63  }
0x101: {  	v3 =	vld [tilespmem:$0x60];
	_ =	sdelay $0x4  }
0x102: {  	v46 =	vshrl.u32 v3, $0x3  }
0x103: {  	v4 =	vmul.u32 $0x18, v46  }
0x104: {  	v3 =	vand.u32 $0x7, v3  }
0x105: {  	v3 =	vor.u32 v3, v4  }
0x106: {  	v4 =	vperm.xlane v3, v0;
	_ =	sdelay $0x1  }
0x107: {  	v4 =	vadd.s32 v1, v4;
	_ =	sdelay $0x1  }
0x108: {  	v3 =	vperm.xlane v3, v2;
	_ =	sdelay $0x1  }
0x109: {  	s30 =	simm.s32 $0x9080;
	v3 =	vadd.s32 v1, v3  }
0x10a: {  	[tilespmem:s30], [sflag:$0x1] =	stream.indirect_vreg.gather [hbm4b:s1+s3], $0x80, v4, vm0, $0xb8;
	[tilespmem:$0xC080] =	vst v63  }
0x10b: {  	s28 =	simm.s32 $0x9880  }
0x10c: {  	[tilespmem:s28], [sflag:$0x1] =	stream.indirect_vreg.gather [hbm4b:s4+s3], $0x80, v4, vm1, $0xb8;
	[tilespmem:$0xC080] =	vst v63  }
0x10d: {  	s29 =	simm.s32 $0x9C80  }
0x10e: {  	[tilespmem:s29], [sflag:$0x1] =	stream.indirect_vreg.gather [hbm4b:s1+s3], $0x80, v3, vm0, $0xb8;
	[tilespmem:$0xC080] =	vst v63  }
0x10f: {  	s22 =	simm.s32 $0xA480  }
0x110: {  	[tilespmem:s22], [sflag:$0x1] =	stream.indirect_vreg.gather [hbm4b:s4+s3], $0x80, v3, vm1, $0xb8;
	[tilespmem:$0xC080] =	vst v63  }
0x111: {  	v3 =	vld [tilespmem:$0x70];
	_ =	sdelay $0x4  }
0x112: {  	v47 =	vshrl.u32 v3, $0x3  }
0x113: {  	v4 =	vmul.u32 $0x18, v47  }
0x114: {  	v3 =	vand.u32 $0x7, v3  }
0x115: {  	v3 =	vor.u32 v3, v4  }
0x116: {  	v4 =	vperm.xlane v3, v0;
	_ =	sdelay $0x1  }
0x117: {  	v4 =	vadd.s32 v1, v4;
	_ =	sdelay $0x1  }
0x118: {  	v3 =	vperm.xlane v3, v2;
	_ =	sdelay $0x1  }
0x119: {  	s28 =	simm.s32 $0xA880;
	v3 =	vadd.s32 v1, v3  }
0x11a: {  	[tilespmem:s28], [sflag:$0x1] =	stream.indirect_vreg.gather [hbm4b:s1+s3], $0x80, v4, vm0, $0xb8;
	[tilespmem:$0xC080] =	vst v63  }
0x11b: {  	s29 =	simm.s32 $0xB080  }
0x11c: {  	[tilespmem:s29], [sflag:$0x1] =	stream.indirect_vreg.gather [hbm4b:s4+s3], $0x80, v4, vm1, $0xb8;
	[tilespmem:$0xC080] =	vst v63  }
0x11d: {  	s30 =	simm.s32 $0xB480  }
0x11e: {  	[tilespmem:s30], [sflag:$0x1] =	stream.indirect_vreg.gather [hbm4b:s1+s3], $0x80, v3, vm0, $0xb8;
	[tilespmem:$0xC080] =	vst v63  }
0x11f: {  	s21 =	simm.s32 $0xBC80  }
0x120: {  	[tilespmem:s21], [sflag:$0x1] =	stream.indirect_vreg.gather [hbm4b:s4+s3], $0x80, v3, vm1, $0xb8;
	[tilespmem:$0xC080] =	vst v63  }
0x121: {  	_ =	swait.ge [sflag:s14], $0xC000  }
0x122: {  	[sflag:s14] =	ssyncset.done $0x0  }
0x123: {  	s21 =	rddreg [dreg:$0x7];
	[sflag:s14] =	ssyncadd.s32 $0xFFFF4000  }
0x124: {  	[hbm4b:s21+s3] =	stream.linear.scatter [tilespmem:s25], [sflag:$0x2], $0xC000, $0x38;
	[tilespmem:$0xC080] =	vst v63  }
0x125: {  	_ =	swait.ge [sflag:s6], $0xC000  }
0x126: {  	[sflag:s6] =	ssyncset.done $0x0  }
0x127: {  	s22 =	rddreg [dreg:$0x8];
	[sflag:s6] =	ssyncadd.s32 $0xFFFF4000  }
0x128: {  	[tilespmem:s3], [sflag:$0x2] =	stream.linear.gather [hbm4b:s22+s3], $0x80, $0x38;
	[tilespmem:$0xC080] =	vst v63  }
0x129: {  	_ =	swait.ge [sflag:s6], $0x80  }
0x12a: {  	[sflag:s6] =	ssyncset.done $0x0  }
0x12b: {  	[sflag:s6] =	ssyncadd.s32 $0xFFFFFF80  }
0x12c: {  	v3 =	vld [tilespmem:$0x0];
	_ =	sdelay $0x4  }
0x12d: {  	v48 =	vshrl.u32 v3, $0x3  }
0x12e: {  	v4 =	vmul.u32 $0x18, v48  }
0x12f: {  	v3 =	vand.u32 $0x7, v3  }
0x130: {  	v3 =	vor.u32 v3, v4  }
0x131: {  	v4 =	vperm.xlane v3, v0;
	_ =	sdelay $0x1  }
0x132: {  	v4 =	vadd.s32 v1, v4;
	_ =	sdelay $0x1  }
0x133: {  	v3 =	vperm.xlane v3, v2;
	_ =	sdelay $0x1  }
0x134: {  	v3 =	vadd.s32 v1, v3  }
0x135: {  	[tilespmem:s25], [sflag:$0x1] =	stream.indirect_vreg.gather [hbm4b:s1+s3], $0x80, v4, vm0, $0xb8;
	[tilespmem:$0xC080] =	vst v63  }
0x136: {  	s26 =	simm.s32 $0x880  }
0x137: {  	[tilespmem:s26], [sflag:$0x1] =	stream.indirect_vreg.gather [hbm4b:s4+s3], $0x80, v4, vm1, $0xb8;
	[tilespmem:$0xC080] =	vst v63  }
0x138: {  	s26 =	simm.s32 $0xC80  }
0x139: {  	[tilespmem:s26], [sflag:$0x1] =	stream.indirect_vreg.gather [hbm4b:s1+s3], $0x80, v3, vm0, $0xb8;
	[tilespmem:$0xC080] =	vst v63  }
0x13a: {  	_ = 	snop  }
0x13b: {  	[tilespmem:s16], [sflag:$0x1] =	stream.indirect_vreg.gather [hbm4b:s4+s3], $0x80, v3, vm1, $0xb8;
	[tilespmem:$0xC080] =	vst v63  }
0x13c: {  	v3 =	vld [tilespmem:$0x10];
	_ =	sdelay $0x4  }
0x13d: {  	v49 =	vshrl.u32 v3, $0x3  }
0x13e: {  	v4 =	vmul.u32 $0x18, v49  }
0x13f: {  	v3 =	vand.u32 $0x7, v3  }
0x140: {  	v3 =	vor.u32 v3, v4  }
0x141: {  	v4 =	vperm.xlane v3, v0;
	_ =	sdelay $0x1  }
0x142: {  	v4 =	vadd.s32 v1, v4;
	_ =	sdelay $0x1  }
0x143: {  	v3 =	vperm.xlane v3, v2;
	_ =	sdelay $0x1  }
0x144: {  	s16 =	simm.s32 $0x1880;
	v3 =	vadd.s32 v1, v3  }
0x145: {  	[tilespmem:s16], [sflag:$0x1] =	stream.indirect_vreg.gather [hbm4b:s1+s3], $0x80, v4, vm0, $0xb8;
	[tilespmem:$0xC080] =	vst v63  }
0x146: {  	s26 =	simm.s32 $0x2080  }
0x147: {  	[tilespmem:s26], [sflag:$0x1] =	stream.indirect_vreg.gather [hbm4b:s4+s3], $0x80, v4, vm1, $0xb8;
	[tilespmem:$0xC080] =	vst v63  }
0x148: {  	s16 =	simm.s32 $0x2480  }
0x149: {  	[tilespmem:s16], [sflag:$0x1] =	stream.indirect_vreg.gather [hbm4b:s1+s3], $0x80, v3, vm0, $0xb8;
	[tilespmem:$0xC080] =	vst v63  }
0x14a: {  	s26 =	simm.s32 $0x2C80  }
0x14b: {  	[tilespmem:s26], [sflag:$0x1] =	stream.indirect_vreg.gather [hbm4b:s4+s3], $0x80, v3, vm1, $0xb8;
	[tilespmem:$0xC080] =	vst v63  }
0x14c: {  	v3 =	vld [tilespmem:$0x20];
	_ =	sdelay $0x4  }
0x14d: {  	v50 =	vshrl.u32 v3, $0x3  }
0x14e: {  	v4 =	vmul.u32 $0x18, v50  }
0x14f: {  	v3 =	vand.u32 $0x7, v3  }
0x150: {  	v3 =	vor.u32 v3, v4  }
0x151: {  	v4 =	vperm.xlane v3, v0;
	_ =	sdelay $0x1  }
0x152: {  	v4 =	vadd.s32 v1, v4;
	_ =	sdelay $0x1  }
0x153: {  	v3 =	vperm.xlane v3, v2;
	_ =	sdelay $0x1  }
0x154: {  	s16 =	simm.s32 $0x3080;
	v3 =	vadd.s32 v1, v3  }
0x155: {  	[tilespmem:s16], [sflag:$0x1] =	stream.indirect_vreg.gather [hbm4b:s1+s3], $0x80, v4, vm0, $0xb8;
	[tilespmem:$0xC080] =	vst v63  }
0x156: {  	_ = 	snop  }
0x157: {  	[tilespmem:s24], [sflag:$0x1] =	stream.indirect_vreg.gather [hbm4b:s4+s3], $0x80, v4, vm1, $0xb8;
	[tilespmem:$0xC080] =	vst v63  }
0x158: {  	_ = 	snop  }
0x159: {  	[tilespmem:s12], [sflag:$0x1] =	stream.indirect_vreg.gather [hbm4b:s1+s3], $0x80, v3, vm0, $0xb8;
	[tilespmem:$0xC080] =	vst v63  }
0x15a: {  	_ = 	snop  }
0x15b: {  	[tilespmem:s13], [sflag:$0x1] =	stream.indirect_vreg.gather [hbm4b:s4+s3], $0x80, v3, vm1, $0xb8;
	[tilespmem:$0xC080] =	vst v63  }
0x15c: {  	v3 =	vld [tilespmem:$0x30];
	_ =	sdelay $0x4  }
0x15d: {  	v51 =	vshrl.u32 v3, $0x3  }
0x15e: {  	v4 =	vmul.u32 $0x18, v51  }
0x15f: {  	v3 =	vand.u32 $0x7, v3  }
0x160: {  	v3 =	vor.u32 v3, v4  }
0x161: {  	v4 =	vperm.xlane v3, v0;
	_ =	sdelay $0x1  }
0x162: {  	v4 =	vadd.s32 v1, v4;
	_ =	sdelay $0x1  }
0x163: {  	v3 =	vperm.xlane v3, v2;
	_ =	sdelay $0x1  }
0x164: {  	v3 =	vadd.s32 v1, v3  }
0x165: {  	[tilespmem:s17], [sflag:$0x1] =	stream.indirect_vreg.gather [hbm4b:s1+s3], $0x80, v4, vm0, $0xb8;
	[tilespmem:$0xC080] =	vst v63  }
0x166: {  	_ = 	snop  }
0x167: {  	[tilespmem:s18], [sflag:$0x1] =	stream.indirect_vreg.gather [hbm4b:s4+s3], $0x80, v4, vm1, $0xb8;
	[tilespmem:$0xC080] =	vst v63  }
0x168: {  	_ = 	snop  }
0x169: {  	[tilespmem:s19], [sflag:$0x1] =	stream.indirect_vreg.gather [hbm4b:s1+s3], $0x80, v3, vm0, $0xb8;
	[tilespmem:$0xC080] =	vst v63  }
0x16a: {  	_ = 	snop  }
0x16b: {  	[tilespmem:s20], [sflag:$0x1] =	stream.indirect_vreg.gather [hbm4b:s4+s3], $0x80, v3, vm1, $0xb8;
	[tilespmem:$0xC080] =	vst v63  }
0x16c: {  	v3 =	vld [tilespmem:$0x40];
	_ =	sdelay $0x4  }
0x16d: {  	v52 =	vshrl.u32 v3, $0x3  }
0x16e: {  	v4 =	vmul.u32 $0x18, v52  }
0x16f: {  	v3 =	vand.u32 $0x7, v3  }
0x170: {  	v3 =	vor.u32 v3, v4  }
0x171: {  	v4 =	vperm.xlane v3, v0;
	_ =	sdelay $0x1  }
0x172: {  	v4 =	vadd.s32 v1, v4;
	_ =	sdelay $0x1  }
0x173: {  	v3 =	vperm.xlane v3, v2;
	_ =	sdelay $0x1  }
0x174: {  	v3 =	vadd.s32 v1, v3  }
0x175: {  	[tilespmem:s0], [sflag:$0x1] =	stream.indirect_vreg.gather [hbm4b:s1+s3], $0x80, v4, vm0, $0xb8;
	[tilespmem:$0xC080] =	vst v63  }
0x176: {  	_ = 	snop  }
0x177: {  	[tilespmem:s2], [sflag:$0x1] =	stream.indirect_vreg.gather [hbm4b:s4+s3], $0x80, v4, vm1, $0xb8;
	[tilespmem:$0xC080] =	vst v63  }
0x178: {  	_ = 	snop  }
0x179: {  	[tilespmem:s7], [sflag:$0x1] =	stream.indirect_vreg.gather [hbm4b:s1+s3], $0x80, v3, vm0, $0xb8;
	[tilespmem:$0xC080] =	vst v63  }
0x17a: {  	_ = 	snop  }
0x17b: {  	[tilespmem:s11], [sflag:$0x1] =	stream.indirect_vreg.gather [hbm4b:s4+s3], $0x80, v3, vm1, $0xb8;
	[tilespmem:$0xC080] =	vst v63  }
0x17c: {  	v3 =	vld [tilespmem:$0x50];
	_ =	sdelay $0x4  }
0x17d: {  	v53 =	vshrl.u32 v3, $0x3  }
0x17e: {  	v4 =	vmul.u32 $0x18, v53  }
0x17f: {  	v3 =	vand.u32 $0x7, v3  }
0x180: {  	v3 =	vor.u32 v3, v4  }
0x181: {  	v4 =	vperm.xlane v3, v0;
	_ =	sdelay $0x1  }
0x182: {  	v4 =	vadd.s32 v1, v4;
	_ =	sdelay $0x1  }
0x183: {  	v3 =	vperm.xlane v3, v2;
	_ =	sdelay $0x1  }
0x184: {  	v3 =	vadd.s32 v1, v3  }
0x185: {  	[tilespmem:s8], [sflag:$0x1] =	stream.indirect_vreg.gather [hbm4b:s1+s3], $0x80, v4, vm0, $0xb8;
	[tilespmem:$0xC080] =	vst v63  }
0x186: {  	_ = 	snop  }
0x187: {  	[tilespmem:s9], [sflag:$0x1] =	stream.indirect_vreg.gather [hbm4b:s4+s3], $0x80, v4, vm1, $0xb8;
	[tilespmem:$0xC080] =	vst v63  }
0x188: {  	_ = 	snop  }
0x189: {  	[tilespmem:s10], [sflag:$0x1] =	stream.indirect_vreg.gather [hbm4b:s1+s3], $0x80, v3, vm0, $0xb8;
	[tilespmem:$0xC080] =	vst v63  }
0x18a: {  	s26 =	simm.s32 $0x8C80  }
0x18b: {  	[tilespmem:s26], [sflag:$0x1] =	stream.indirect_vreg.gather [hbm4b:s4+s3], $0x80, v3, vm1, $0xb8;
	[tilespmem:$0xC080] =	vst v63  }
0x18c: {  	v3 =	vld [tilespmem:$0x60];
	_ =	sdelay $0x4  }
0x18d: {  	v54 =	vshrl.u32 v3, $0x3  }
0x18e: {  	v4 =	vmul.u32 $0x18, v54  }
0x18f: {  	v3 =	vand.u32 $0x7, v3  }
0x190: {  	v3 =	vor.u32 v3, v4  }
0x191: {  	v4 =	vperm.xlane v3, v0;
	_ =	sdelay $0x1  }
0x192: {  	v4 =	vadd.s32 v1, v4;
	_ =	sdelay $0x1  }
0x193: {  	v3 =	vperm.xlane v3, v2;
	_ =	sdelay $0x1  }
0x194: {  	s31 =	simm.s32 $0x9080;
	v3 =	vadd.s32 v1, v3  }
0x195: {  	[tilespmem:s31], [sflag:$0x1] =	stream.indirect_vreg.gather [hbm4b:s1+s3], $0x80, v4, vm0, $0xb8;
	[tilespmem:$0xC080] =	vst v63  }
0x196: {  	s24 =	simm.s32 $0x9880  }
0x197: {  	[tilespmem:s24], [sflag:$0x1] =	stream.indirect_vreg.gather [hbm4b:s4+s3], $0x80, v4, vm1, $0xb8;
	[tilespmem:$0xC080] =	vst v63  }
0x198: {  	s23 =	simm.s32 $0x9C80  }
0x199: {  	[tilespmem:s23], [sflag:$0x1] =	stream.indirect_vreg.gather [hbm4b:s1+s3], $0x80, v3, vm0, $0xb8;
	[tilespmem:$0xC080] =	vst v63  }
0x19a: {  	s26 =	simm.s32 $0xA480  }
0x19b: {  	[tilespmem:s26], [sflag:$0x1] =	stream.indirect_vreg.gather [hbm4b:s4+s3], $0x80, v3, vm1, $0xb8;
	[tilespmem:$0xC080] =	vst v63  }
0x19c: {  	v3 =	vld [tilespmem:$0x70];
	_ =	sdelay $0x4  }
0x19d: {  	v55 =	vshrl.u32 v3, $0x3  }
0x19e: {  	v4 =	vmul.u32 $0x18, v55  }
0x19f: {  	v3 =	vand.u32 $0x7, v3  }
0x1a0: {  	v3 =	vor.u32 v3, v4  }
0x1a1: {  	v4 =	vperm.xlane v3, v0;
	_ =	sdelay $0x1  }
0x1a2: {  	v4 =	vadd.s32 v1, v4;
	_ =	sdelay $0x1  }
0x1a3: {  	v3 =	vperm.xlane v3, v2;
	_ =	sdelay $0x1  }
0x1a4: {  	s28 =	simm.s32 $0xA880;
	v3 =	vadd.s32 v1, v3  }
0x1a5: {  	[tilespmem:s28], [sflag:$0x1] =	stream.indirect_vreg.gather [hbm4b:s1+s3], $0x80, v4, vm0, $0xb8;
	[tilespmem:$0xC080] =	vst v63  }
0x1a6: {  	s29 =	simm.s32 $0xB080  }
0x1a7: {  	[tilespmem:s29], [sflag:$0x1] =	stream.indirect_vreg.gather [hbm4b:s4+s3], $0x80, v4, vm1, $0xb8;
	[tilespmem:$0xC080] =	vst v63  }
0x1a8: {  	s30 =	simm.s32 $0xB480  }
0x1a9: {  	[tilespmem:s30], [sflag:$0x1] =	stream.indirect_vreg.gather [hbm4b:s1+s3], $0x80, v3, vm0, $0xb8;
	[tilespmem:$0xC080] =	vst v63  }
0x1aa: {  	s29 =	simm.s32 $0xBC80  }
0x1ab: {  	[tilespmem:s29], [sflag:$0x1] =	stream.indirect_vreg.gather [hbm4b:s4+s3], $0x80, v3, vm1, $0xb8;
	[tilespmem:$0xC080] =	vst v63  }
0x1ac: {  	_ =	swait.ge [sflag:s14], $0xC000  }
0x1ad: {  	[sflag:s14] =	ssyncset.done $0x0  }
0x1ae: {  	s30 =	rddreg [dreg:$0x9];
	[sflag:s14] =	ssyncadd.s32 $0xFFFF4000  }
0x1af: {  	[hbm4b:s30+s3] =	stream.linear.scatter [tilespmem:s25], [sflag:$0x2], $0xC000, $0x38;
	[tilespmem:$0xC080] =	vst v63  }
0x1b0: {  	_ =	swait.ge [sflag:s6], $0xC000  }
0x1b1: {  	[sflag:s6] =	ssyncset.done $0x0  }
0x1b2: {  	s30 =	rddreg [dreg:$0xa];
	[sflag:s6] =	ssyncadd.s32 $0xFFFF4000  }
0x1b3: {  	[tilespmem:s3], [sflag:$0x2] =	stream.linear.gather [hbm4b:s30+s3], $0x80, $0x38;
	[tilespmem:$0xC080] =	vst v63  }
0x1b4: {  	_ =	swait.ge [sflag:s6], $0x80  }
0x1b5: {  	[sflag:s6] =	ssyncset.done $0x0  }
0x1b6: {  	[sflag:s6] =	ssyncadd.s32 $0xFFFFFF80  }
0x1b7: {  	v3 =	vld [tilespmem:$0x0];
	_ =	sdelay $0x4  }
0x1b8: {  	v56 =	vshrl.u32 v3, $0x3  }
0x1b9: {  	v4 =	vmul.u32 $0x18, v56  }
0x1ba: {  	v3 =	vand.u32 $0x7, v3  }
0x1bb: {  	v3 =	vor.u32 v3, v4  }
0x1bc: {  	v4 =	vperm.xlane v3, v0;
	_ =	sdelay $0x1  }
0x1bd: {  	v4 =	vadd.s32 v1, v4;
	_ =	sdelay $0x1  }
0x1be: {  	v3 =	vperm.xlane v3, v2;
	_ =	sdelay $0x1  }
0x1bf: {  	v3 =	vadd.s32 v1, v3  }
0x1c0: {  	[tilespmem:s25], [sflag:$0x1] =	stream.indirect_vreg.gather [hbm4b:s1+s3], $0x80, v4, vm0, $0xb8;
	[tilespmem:$0xC080] =	vst v63  }
0x1c1: {  	s22 =	simm.s32 $0x880  }
0x1c2: {  	[tilespmem:s22], [sflag:$0x1] =	stream.indirect_vreg.gather [hbm4b:s4+s3], $0x80, v4, vm1, $0xb8;
	[tilespmem:$0xC080] =	vst v63  }
0x1c3: {  	s30 =	simm.s32 $0xC80  }
0x1c4: {  	[tilespmem:s30], [sflag:$0x1] =	stream.indirect_vreg.gather [hbm4b:s1+s3], $0x80, v3, vm0, $0xb8;
	[tilespmem:$0xC080] =	vst v63  }
0x1c5: {  	s21 =	simm.s32 $0x1480  }
0x1c6: {  	[tilespmem:s21], [sflag:$0x1] =	stream.indirect_vreg.gather [hbm4b:s4+s3], $0x80, v3, vm1, $0xb8;
	[tilespmem:$0xC080] =	vst v63  }
0x1c7: {  	v3 =	vld [tilespmem:$0x10];
	_ =	sdelay $0x4  }
0x1c8: {  	v57 =	vshrl.u32 v3, $0x3  }
0x1c9: {  	v4 =	vmul.u32 $0x18, v57  }
0x1ca: {  	v3 =	vand.u32 $0x7, v3  }
0x1cb: {  	v3 =	vor.u32 v3, v4  }
0x1cc: {  	v4 =	vperm.xlane v3, v0;
	_ =	sdelay $0x1  }
0x1cd: {  	v4 =	vadd.s32 v1, v4;
	_ =	sdelay $0x1  }
0x1ce: {  	v3 =	vperm.xlane v3, v2;
	_ =	sdelay $0x1  }
0x1cf: {  	s22 =	simm.s32 $0x1880;
	v3 =	vadd.s32 v1, v3  }
0x1d0: {  	[tilespmem:s22], [sflag:$0x1] =	stream.indirect_vreg.gather [hbm4b:s1+s3], $0x80, v4, vm0, $0xb8;
	[tilespmem:$0xC080] =	vst v63  }
0x1d1: {  	s30 =	simm.s32 $0x2080  }
0x1d2: {  	[tilespmem:s30], [sflag:$0x1] =	stream.indirect_vreg.gather [hbm4b:s4+s3], $0x80, v4, vm1, $0xb8;
	[tilespmem:$0xC080] =	vst v63  }
0x1d3: {  	s21 =	simm.s32 $0x2480  }
0x1d4: {  	[tilespmem:s21], [sflag:$0x1] =	stream.indirect_vreg.gather [hbm4b:s1+s3], $0x80, v3, vm0, $0xb8;
	[tilespmem:$0xC080] =	vst v63  }
0x1d5: {  	s22 =	simm.s32 $0x2C80  }
0x1d6: {  	[tilespmem:s22], [sflag:$0x1] =	stream.indirect_vreg.gather [hbm4b:s4+s3], $0x80, v3, vm1, $0xb8;
	[tilespmem:$0xC080] =	vst v63  }
0x1d7: {  	v3 =	vld [tilespmem:$0x20];
	_ =	sdelay $0x4  }
0x1d8: {  	v58 =	vshrl.u32 v3, $0x3  }
0x1d9: {  	v4 =	vmul.u32 $0x18, v58  }
0x1da: {  	v3 =	vand.u32 $0x7, v3  }
0x1db: {  	v3 =	vor.u32 v3, v4  }
0x1dc: {  	v4 =	vperm.xlane v3, v0;
	_ =	sdelay $0x1  }
0x1dd: {  	v4 =	vadd.s32 v1, v4;
	_ =	sdelay $0x1  }
0x1de: {  	v3 =	vperm.xlane v3, v2;
	_ =	sdelay $0x1  }
0x1df: {  	s30 =	simm.s32 $0x3080;
	v3 =	vadd.s32 v1, v3  }
0x1e0: {  	[tilespmem:s30], [sflag:$0x1] =	stream.indirect_vreg.gather [hbm4b:s1+s3], $0x80, v4, vm0, $0xb8;
	[tilespmem:$0xC080] =	vst v63  }
0x1e1: {  	s16 =	simm.s32 $0x3880  }
0x1e2: {  	[tilespmem:s16], [sflag:$0x1] =	stream.indirect_vreg.gather [hbm4b:s4+s3], $0x80, v4, vm1, $0xb8;
	[tilespmem:$0xC080] =	vst v63  }
0x1e3: {  	s12 =	simm.s32 $0x3C80  }
0x1e4: {  	[tilespmem:s12], [sflag:$0x1] =	stream.indirect_vreg.gather [hbm4b:s1+s3], $0x80, v3, vm0, $0xb8;
	[tilespmem:$0xC080] =	vst v63  }
0x1e5: {  	s13 =	simm.s32 $0x4480  }
0x1e6: {  	[tilespmem:s13], [sflag:$0x1] =	stream.indirect_vreg.gather [hbm4b:s4+s3], $0x80, v3, vm1, $0xb8;
	[tilespmem:$0xC080] =	vst v63  }
0x1e7: {  	v3 =	vld [tilespmem:$0x30];
	_ =	sdelay $0x4  }
0x1e8: {  	v59 =	vshrl.u32 v3, $0x3  }
0x1e9: {  	v4 =	vmul.u32 $0x18, v59  }
0x1ea: {  	v3 =	vand.u32 $0x7, v3  }
0x1eb: {  	v3 =	vor.u32 v3, v4  }
0x1ec: {  	v4 =	vperm.xlane v3, v0;
	_ =	sdelay $0x1  }
0x1ed: {  	v4 =	vadd.s32 v1, v4;
	_ =	sdelay $0x1  }
0x1ee: {  	v3 =	vperm.xlane v3, v2;
	_ =	sdelay $0x1  }
0x1ef: {  	s17 =	simm.s32 $0x4880;
	v3 =	vadd.s32 v1, v3  }
0x1f0: {  	[tilespmem:s17], [sflag:$0x1] =	stream.indirect_vreg.gather [hbm4b:s1+s3], $0x80, v4, vm0, $0xb8;
	[tilespmem:$0xC080] =	vst v63  }
0x1f1: {  	s18 =	simm.s32 $0x5080  }
0x1f2: {  	[tilespmem:s18], [sflag:$0x1] =	stream.indirect_vreg.gather [hbm4b:s4+s3], $0x80, v4, vm1, $0xb8;
	[tilespmem:$0xC080] =	vst v63  }
0x1f3: {  	s19 =	simm.s32 $0x5480  }
0x1f4: {  	[tilespmem:s19], [sflag:$0x1] =	stream.indirect_vreg.gather [hbm4b:s1+s3], $0x80, v3, vm0, $0xb8;
	[tilespmem:$0xC080] =	vst v63  }
0x1f5: {  	s20 =	simm.s32 $0x5C80  }
0x1f6: {  	[tilespmem:s20], [sflag:$0x1] =	stream.indirect_vreg.gather [hbm4b:s4+s3], $0x80, v3, vm1, $0xb8;
	[tilespmem:$0xC080] =	vst v63  }
0x1f7: {  	v3 =	vld [tilespmem:$0x40];
	_ =	sdelay $0x4  }
0x1f8: {  	v60 =	vshrl.u32 v3, $0x3  }
0x1f9: {  	v4 =	vmul.u32 $0x18, v60  }
0x1fa: {  	v3 =	vand.u32 $0x7, v3  }
0x1fb: {  	v3 =	vor.u32 v3, v4  }
0x1fc: {  	v4 =	vperm.xlane v3, v0;
	_ =	sdelay $0x1  }
0x1fd: {  	v4 =	vadd.s32 v1, v4;
	_ =	sdelay $0x1  }
0x1fe: {  	v3 =	vperm.xlane v3, v2;
	_ =	sdelay $0x1  }
0x1ff: {  	s0 =	simm.s32 $0x6080;
	v3 =	vadd.s32 v1, v3  }
0x200: {  	[tilespmem:s0], [sflag:$0x1] =	stream.indirect_vreg.gather [hbm4b:s1+s3], $0x80, v4, vm0, $0xb8;
	[tilespmem:$0xC080] =	vst v63  }
0x201: {  	s2 =	simm.s32 $0x6880  }
0x202: {  	[tilespmem:s2], [sflag:$0x1] =	stream.indirect_vreg.gather [hbm4b:s4+s3], $0x80, v4, vm1, $0xb8;
	[tilespmem:$0xC080] =	vst v63  }
0x203: {  	s7 =	simm.s32 $0x6C80  }
0x204: {  	[tilespmem:s7], [sflag:$0x1] =	stream.indirect_vreg.gather [hbm4b:s1+s3], $0x80, v3, vm0, $0xb8;
	[tilespmem:$0xC080] =	vst v63  }
0x205: {  	s11 =	simm.s32 $0x7480  }
0x206: {  	[tilespmem:s11], [sflag:$0x1] =	stream.indirect_vreg.gather [hbm4b:s4+s3], $0x80, v3, vm1, $0xb8;
	[tilespmem:$0xC080] =	vst v63  }
0x207: {  	v3 =	vld [tilespmem:$0x50];
	_ =	sdelay $0x4  }
0x208: {  	v61 =	vshrl.u32 v3, $0x3  }
0x209: {  	v4 =	vmul.u32 $0x18, v61  }
0x20a: {  	v3 =	vand.u32 $0x7, v3  }
0x20b: {  	v3 =	vor.u32 v3, v4  }
0x20c: {  	v4 =	vperm.xlane v3, v0;
	_ =	sdelay $0x1  }
0x20d: {  	v4 =	vadd.s32 v1, v4;
	_ =	sdelay $0x1  }
0x20e: {  	v3 =	vperm.xlane v3, v2;
	_ =	sdelay $0x1  }
0x20f: {  	s8 =	simm.s32 $0x7880;
	v3 =	vadd.s32 v1, v3  }
0x210: {  	[tilespmem:s8], [sflag:$0x1] =	stream.indirect_vreg.gather [hbm4b:s1+s3], $0x80, v4, vm0, $0xb8;
	[tilespmem:$0xC080] =	vst v63  }
0x211: {  	s9 =	simm.s32 $0x8080  }
0x212: {  	[tilespmem:s9], [sflag:$0x1] =	stream.indirect_vreg.gather [hbm4b:s4+s3], $0x80, v4, vm1, $0xb8;
	[tilespmem:$0xC080] =	vst v63  }
0x213: {  	s10 =	simm.s32 $0x8480  }
0x214: {  	[tilespmem:s10], [sflag:$0x1] =	stream.indirect_vreg.gather [hbm4b:s1+s3], $0x80, v3, vm0, $0xb8;
	[tilespmem:$0xC080] =	vst v63  }
0x215: {  	s21 =	simm.s32 $0x8C80  }
0x216: {  	[tilespmem:s21], [sflag:$0x1] =	stream.indirect_vreg.gather [hbm4b:s4+s3], $0x80, v3, vm1, $0xb8;
	[tilespmem:$0xC080] =	vst v63  }
0x217: {  	v3 =	vld [tilespmem:$0x60];
	_ =	sdelay $0x4  }
0x218: {  	v62 =	vshrl.u32 v3, $0x3  }
0x219: {  	v4 =	vmul.u32 $0x18, v62  }
0x21a: {  	v3 =	vand.u32 $0x7, v3  }
0x21b: {  	v3 =	vor.u32 v3, v4  }
0x21c: {  	v4 =	vperm.xlane v3, v0;
	_ =	sdelay $0x1  }
0x21d: {  	v4 =	vadd.s32 v1, v4;
	_ =	sdelay $0x1  }
0x21e: {  	v3 =	vperm.xlane v3, v2;
	_ =	sdelay $0x1  }
0x21f: {  	s31 =	simm.s32 $0x9080;
	v3 =	vadd.s32 v1, v3  }
0x220: {  	[tilespmem:s31], [sflag:$0x1] =	stream.indirect_vreg.gather [hbm4b:s1+s3], $0x80, v4, vm0, $0xb8;
	[tilespmem:$0xC080] =	vst v63  }
0x221: {  	s22 =	simm.s32 $0x9880  }
0x222: {  	[tilespmem:s22], [sflag:$0x1] =	stream.indirect_vreg.gather [hbm4b:s4+s3], $0x80, v4, vm1, $0xb8;
	[tilespmem:$0xC080] =	vst v63  }
0x223: {  	s24 =	simm.s32 $0x9C80  }
0x224: {  	[tilespmem:s24], [sflag:$0x1] =	stream.indirect_vreg.gather [hbm4b:s1+s3], $0x80, v3, vm0, $0xb8;
	[tilespmem:$0xC080] =	vst v63  }
0x225: {  	s30 =	simm.s32 $0xA480  }
0x226: {  	[tilespmem:s30], [sflag:$0x1] =	stream.indirect_vreg.gather [hbm4b:s4+s3], $0x80, v3, vm1, $0xb8;
	[tilespmem:$0xC080] =	vst v63  }
0x227: {  	v3 =	vld [tilespmem:$0x70];
	_ =	sdelay $0x4  }
0x228: {  	v63 =	vshrl.u32 v3, $0x3  }
0x229: {  	v4 =	vmul.u32 $0x18, v63  }
0x22a: {  	v3 =	vand.u32 $0x7, v3  }
0x22b: {  	v3 =	vor.u32 v3, v4  }
0x22c: {  	v4 =	vperm.xlane v3, v0;
	_ =	sdelay $0x1  }
0x22d: {  	v4 =	vadd.s32 v1, v4;
	_ =	sdelay $0x1  }
0x22e: {  	v3 =	vperm.xlane v3, v2;
	_ =	sdelay $0x1  }
0x22f: {  	s23 =	simm.s32 $0xA880;
	v3 =	vadd.s32 v1, v3  }
0x230: {  	[tilespmem:s23], [sflag:$0x1] =	stream.indirect_vreg.gather [hbm4b:s1+s3], $0x80, v4, vm0, $0xb8;
	[tilespmem:$0xC080] =	vst v63  }
0x231: {  	s26 =	simm.s32 $0xB080  }
0x232: {  	[tilespmem:s26], [sflag:$0x1] =	stream.indirect_vreg.gather [hbm4b:s4+s3], $0x80, v4, vm1, $0xb8;
	[tilespmem:$0xC080] =	vst v63  }
0x233: {  	s28 =	simm.s32 $0xB480  }
0x234: {  	[tilespmem:s28], [sflag:$0x1] =	stream.indirect_vreg.gather [hbm4b:s1+s3], $0x80, v3, vm0, $0xb8;
	[tilespmem:$0xC080] =	vst v63  }
0x235: {  	s29 =	simm.s32 $0xBC80  }
0x236: {  	[tilespmem:s29], [sflag:$0x1] =	stream.indirect_vreg.gather [hbm4b:s4+s3], $0x80, v3, vm1, $0xb8;
	[tilespmem:$0xC080] =	vst v63  }
0x237: {  	_ =	swait.ge [sflag:s14], $0xC000  }
0x238: {  	p0 =	sne.s32 s5, $0x1;
	[sflag:s14] =	ssyncset.done $0x0  }
.Ltmp0:
0x239: {  	s31 =	rddreg [dreg:$0xb];
	[sflag:s14] =	ssyncadd.s32 $0xFFFF4000;
	(pc) =	sbr.rel @p0 .LBB2_1-.Ltmp0, $4  }
0x23a: {  	[hbm4b:s31+s3] =	stream.linear.scatter [tilespmem:s25], [sflag:$0x2], $0xC000, $0x38;
	[tilespmem:$0xC080] =	vst v63  }
0x23b: {  	_ =	swait.ge [sflag:s6], $0xC000  }
0x23c: {  	[sflag:s6] =	ssyncset.done $0x0  }
0x23d: {  	s5 =	sadd.s32 $0xFFFFFFFF, s5;
	[sflag:s6] =	ssyncadd.s32 $0xFFFF4000  }
0x23e: {  	_ =	sfence.sel $0x180000  }
0x23f: {  	[bflag:$0x0] =	sbarrier.arrive $0xFFFF  }
0x240: {  	_ =	strace $0x90000047  }
0x241: {  	s0 =	stileid.u32;
	[bflag:$0x2] =	sbarrier.arrive $0xFFFF  }
0x242: {  	p0 =	sne.s32 s0, $0x0;
	s0 =	rddreg [dreg:$0x3]  }
0x243: {  	s0 =	sadd.s32 @!p0 $0x100000, s0  }
0x244: {  	[sflag:s0] =	ssyncadd.tile.s32 @!p0 $0x1;
	_ =	shalt  }
.Lfunc_end2:
_tile_overlayer_lowered:
.L_overlay_start_2:
0x245: {  	(tag) =	ssettag $0x2  }
0x246: {  	s0 =	rddreg [dreg:$0x0];
	s2 =	stileid.u32  }
0x247: {  	s1 =	rddreg [dreg:$0x1];
	p0 =	sne.s32 s2, $0x0  }
0x248: {  	s3 =	rddreg [dreg:$0x2];
	[bflag:$0x3] =	sbarrier.arrive $0xFFFF;
	s2 =	simm.s32 @!p0 $0x1C02  }
0x249: {  	[timem:s3], [sflag:s2] =	dma.local @!p0 [hbm:s0], s1  }
0x24a: {  	s0 =	simm.s32 @!p0 $0x2  }
0x24b: {  	_ =	swait.ge @!p0 [sflag:s0], s1  }
0x24c: {  	s1 =	ssub.s32 @!p0 $0x0, s1;
	[sflag:s0] =	ssyncset.done @!p0 $0x0  }
0x24d: {  	[sflag:s0] =	ssyncadd.s32 @!p0 s1  }
0x24e: {  	[bflag:$0x3] =	sbarrier.arrive $0xFFFF  }
0x24f: {  	_ =	shalt  }

</sc_bundles>
